<compile_context>
chip_gen: v7x
topology: tpu7x:2x2x1
jax: 0.10.2.dev20260603
libtpu: 0.0.44.dev20260713+nightly
codegen_flags: <defaults>
</compile_context>

<pallas_src>
import numpy as np
import jax
import jax.numpy as jnp
from jax.experimental import pallas as pl
from jax.experimental.pallas import tpu as pltpu

N = 10000
E = 160000
DIN = 128
DQ = 32
DK = 16
NB = 32
HID = 16
M0, M1, M2 = 16, 8, 4
DV = M0 + M1 + M2
DOUT = M0 + 3 * M1 + 5 * M2

EB = 2000
NSTEPS = E // EB
QB = 2000

_R1 = np.kron(np.eye(M1), np.ones((1, 3))).astype(np.float32)
_T1 = np.kron(np.ones((1, M1)), np.eye(3)).astype(np.float32)
_R2 = np.kron(np.eye(M2), np.ones((1, 5))).astype(np.float32)
_T2 = np.kron(np.ones((1, M2)), np.eye(5)).astype(np.float32)


def _q_kernel(x_ref, wq_ref, q_ref):
    q_ref[...] = jnp.dot(x_ref[...], wq_ref[...],
                         preferred_element_type=jnp.float32) / (DIN ** 0.5)


def _edge_kernel(vec_ref, xs_ref, qd_ref, wkmat_ref, wvmat_ref, kw1_ref,
                 vw1_ref, wtpq_ref, wsim_ref, r1_ref, t1_ref, r2_ref, t2_ref,
                 logits_ref, v_ref):
    vec = vec_ref[...]
    d2 = jnp.sum(vec * vec, axis=1, keepdims=True)
    d = jnp.sqrt(d2)
    u = vec / (d + 1e-9)
    sh1 = (3.0 ** 0.5) * u
    ux = u[:, 0:1]
    uy = u[:, 1:2]
    uz = u[:, 2:3]
    c2 = 15.0 ** 0.5
    sh2 = jnp.concatenate([
        c2 * ux * uy,
        c2 * uy * uz,
        (5.0 ** 0.5) * 0.5 * (3.0 * uz * uz - 1.0),
        c2 * ux * uz,
        0.5 * c2 * (ux * ux - uy * uy),
    ], axis=1)

    centers = jax.lax.broadcasted_iota(jnp.int32, (1, NB), 1).astype(jnp.float32) * (3.5 / (NB - 1))
    width = 3.5 / NB
    b = jnp.exp(-0.5 * ((d - centers) / width) ** 2)
    bn = b * (NB ** 0.5) / (jnp.sqrt(jnp.sum(b * b, axis=1, keepdims=True)) + 1e-9)

    hk = jax.nn.silu(jnp.dot(bn, kw1_ref[...],
                             preferred_element_type=jnp.float32) / (NB ** 0.5))
    hv = jax.nn.silu(jnp.dot(bn, vw1_ref[...],
                             preferred_element_type=jnp.float32) / (NB ** 0.5))

    xs = xs_ref[...]
    qd = qd_ref[...]

    tk = jnp.dot(xs, wkmat_ref[...], preferred_element_type=jnp.float32)
    k = jnp.zeros((EB, DK), dtype=jnp.float32)
    for h in range(HID):
        k = k + hk[:, h:h + 1] * tk[:, h * DK:(h + 1) * DK]
    k = k / (DIN ** 0.5) + jnp.dot(qd, wtpq_ref[...],
                                   preferred_element_type=jnp.float32) / (DQ ** 0.5)

    a = jnp.dot(qd, wsim_ref[...], preferred_element_type=jnp.float32)
    logits = jnp.sum(a * k, axis=1, keepdims=True) / ((DQ * DK) ** 0.5)

    tv = jnp.dot(xs, wvmat_ref[...], preferred_element_type=jnp.float32)
    s = jnp.zeros((EB, DV), dtype=jnp.float32)
    for h in range(HID):
        s = s + hv[:, h:h + 1] * tv[:, h * DV:(h + 1) * DV]
    s = s / (DIN ** 0.5)

    s0 = s[:, :M0]
    s1 = s[:, M0:M0 + M1]
    s2 = s[:, M0 + M1:]
    v1 = jnp.dot(s1, r1_ref[...], preferred_element_type=jnp.float32) * \
        jnp.dot(sh1, t1_ref[...], preferred_element_type=jnp.float32)
    v2 = jnp.dot(s2, r2_ref[...], preferred_element_type=jnp.float32) * \
        jnp.dot(sh2, t2_ref[...], preferred_element_type=jnp.float32)

    logits_ref[...] = logits
    v_ref[...] = jnp.concatenate([s0, v1, v2], axis=1)


def kernel(x, pos, edge_index, W_query, W_tpq, W_sim, kW1, kW2, vW1, vW2):
    src = edge_index[0]
    dst = edge_index[1]

    q = pl.pallas_call(
        _q_kernel,
        grid=(N // QB,),
        in_specs=[
            pl.BlockSpec((QB, DIN), lambda i: (i, 0)),
            pl.BlockSpec((DIN, DQ), lambda i: (0, 0)),
        ],
        out_specs=pl.BlockSpec((QB, DQ), lambda i: (i, 0)),
        out_shape=jax.ShapeDtypeStruct((N, DQ), jnp.float32),
    )(x, W_query)

    xs = jnp.take(x, src, axis=0)
    qd = jnp.take(q, dst, axis=0)
    vec = jnp.take(pos, dst, axis=0) - jnp.take(pos, src, axis=0)

    wkmat = (kW2.reshape(HID, DIN, DK) / (HID ** 0.5)).transpose(1, 0, 2).reshape(DIN, HID * DK)
    wvmat = (vW2.reshape(HID, DIN, DV) / (HID ** 0.5)).transpose(1, 0, 2).reshape(DIN, HID * DV)

    logits, v = pl.pallas_call(
        _edge_kernel,
        grid=(NSTEPS,),
        in_specs=[
            pl.BlockSpec((EB, 3), lambda i: (i, 0)),
            pl.BlockSpec((EB, DIN), lambda i: (i, 0)),
            pl.BlockSpec((EB, DQ), lambda i: (i, 0)),
            pl.BlockSpec((DIN, HID * DK), lambda i: (0, 0)),
            pl.BlockSpec((DIN, HID * DV), lambda i: (0, 0)),
            pl.BlockSpec((NB, HID), lambda i: (0, 0)),
            pl.BlockSpec((NB, HID), lambda i: (0, 0)),
            pl.BlockSpec((DQ, DK), lambda i: (0, 0)),
            pl.BlockSpec((DQ, DK), lambda i: (0, 0)),
            pl.BlockSpec((M1, 3 * M1), lambda i: (0, 0)),
            pl.BlockSpec((3, 3 * M1), lambda i: (0, 0)),
            pl.BlockSpec((M2, 5 * M2), lambda i: (0, 0)),
            pl.BlockSpec((5, 5 * M2), lambda i: (0, 0)),
        ],
        out_specs=[
            pl.BlockSpec((EB, 1), lambda i: (i, 0)),
            pl.BlockSpec((EB, DOUT), lambda i: (i, 0)),
        ],
        out_shape=[
            jax.ShapeDtypeStruct((E, 1), jnp.float32),
            jax.ShapeDtypeStruct((E, DOUT), jnp.float32),
        ],
    )(vec, xs, qd, wkmat, wvmat, kW1, vW1, W_tpq, W_sim,
      jnp.asarray(_R1), jnp.asarray(_T1), jnp.asarray(_R2), jnp.asarray(_T2))

    logits = logits[:, 0]
    mx = jax.ops.segment_max(logits, dst, num_segments=N)
    mx = jnp.where(jnp.isfinite(mx), mx, 0.0)
    ex = jnp.exp(logits - mx[dst])
    z = jax.ops.segment_sum(ex, dst, num_segments=N)
    alpha = ex / (z[dst] + 1e-9)
    out = jax.ops.segment_sum(alpha[:, None] * v, dst, num_segments=N)
    return out

# --- scband reference (transcript-rebuilt; emitter-appended) ---
"""Pipeline reference for scband-o3-attention-layer-85358180041034 (READ-ONLY COPY).

The authoritative reference and input builder live on the scoring server;
editing this copy changes nothing except your own understanding.
"""

import jax, jax.numpy as jnp
import numpy as np

N = 10000
E = 160000
DIM_IN = 128   # 128x0e
DIM_Q = 32     # 32x0e
DIM_K = 16     # 16x0e
NB = 32        # num_basis
HID = 16       # hidden width of e3nn FullyConnectedNet [NB, 16, numel]
MUL_V0, MUL_V1, MUL_V2 = 16, 8, 4   # value_irreps = 16x0e + 8x1o + 4x2e  -> out dim 16+24+20 = 60


def _sph(u):
    # component-normalized real spherical harmonics, lmax=2, of unit vectors u
    ux, uy, uz = u[:, 0], u[:, 1], u[:, 2]
    sh1 = (3.0 ** 0.5) * u                                  # l=1, 3 comps
    c2 = 15.0 ** 0.5
    sh2 = jnp.stack([c2 * ux * uy,
                     c2 * uy * uz,
                     (5.0 ** 0.5) * 0.5 * (3.0 * uz * uz - 1.0),
                     c2 * ux * uz,
                     0.5 * c2 * (ux * ux - uy * uy)], axis=-1)  # l=2, 5 comps
    return sh1, sh2


def _radial(d):
    # smooth radial basis embedding (stand-in for e3nn soft_one_hot_linspace)
    centers = jnp.linspace(0.0, 3.5, NB)
    width = 3.5 / NB
    b = jnp.exp(-0.5 * ((d[:, None] - centers[None, :]) / width) ** 2)
    return b * (NB ** 0.5) / (jnp.linalg.norm(b, axis=-1, keepdims=True) + 1e-9)


def setup_inputs(seed: int = 0) -> dict:
    key = jax.random.key(seed)
    ks = jax.random.split(key, 12)
    x = jax.random.normal(ks[0], (N, DIM_IN), dtype=jnp.float32)
    pos = jax.random.normal(ks[1], (N, 3), dtype=jnp.float32)
    edge_index = jax.random.randint(ks[2], (2, E), 0, N, dtype=jnp.int32)
    # learned parameters
    W_query = jax.random.normal(ks[3], (DIM_IN, DIM_Q), dtype=jnp.float32)          # o3.Linear 128x0e -> 32x0e
    W_tpq = jax.random.normal(ks[4], (DIM_Q, DIM_K), dtype=jnp.float32)             # tp_query path 0e x 0e -> 0e (internal weights)
    W_sim = jax.random.normal(ks[5], (DIM_Q, DIM_K), dtype=jnp.float32)             # similarity_tp uvw weights ([32,16,1] squeezed)
    kW1 = jax.random.normal(ks[6], (NB, HID), dtype=jnp.float32)                    # key_basis_net layer 1
    kW2 = jax.random.normal(ks[7], (HID, DIM_IN * DIM_K), dtype=jnp.float32)        # key_basis_net layer 2 -> tp_key.weight_numels = 128*16
    vW1 = jax.random.normal(ks[8], (NB, HID), dtype=jnp.float32)                    # value_basis_net layer 1
    vW2 = jax.random.normal(ks[9], (HID, DIM_IN * (MUL_V0 + MUL_V1 + MUL_V2)), dtype=jnp.float32)  # tp_value.weight_numels = 128*28
    return {"x": x, "pos": pos, "edge_index": edge_index, "W_query": W_query,
            "W_tpq": W_tpq, "W_sim": W_sim, "kW1": kW1, "kW2": kW2, "vW1": vW1, "vW2": vW2}


def reference(x, pos, edge_index, W_query, W_tpq, W_sim, kW1, kW2, vW1, vW2):
    src = edge_index[0]
    dst = edge_index[1]
    vec = pos[dst] - pos[src]
    d = jnp.linalg.norm(vec, axis=-1)
    u = vec / (d[:, None] + 1e-9)
    sh1, sh2 = _sph(u)                     # Y0 = 1 (component normalization)
    basis = _radial(d)                     # [E, NB]
    # e3nn FullyConnectedNet hidden activations (no biases, fan-in normalized)
    hk = jax.nn.silu(basis @ kW1 / (NB ** 0.5))   # [E, HID]
    hv = jax.nn.silu(basis @ vW1 / (NB ** 0.5))   # [E, HID]
    xs = x[src]                                    # gather [E, 128]
    # tp_key: (128x0e) x (Y0) -> 16x0e with per-edge weights w[e] = hk @ kW2; contracted without materializing [E, numel]
    Wk = kW2.reshape(HID, DIM_IN, DIM_K) / (HID ** 0.5)
    tk = jnp.einsum('eu,huw->ehw', xs, Wk)
    k = jnp.einsum('eh,ehw->ew', hk, tk) / (DIM_IN ** 0.5)
    # query projection (o3.Linear) + tp_query (0e path, Y0=1, shared internal weights)
    q = x @ W_query / (DIM_IN ** 0.5)
    qd = q[dst]
    k = k + (qd @ W_tpq) / (DIM_Q ** 0.5)
    # similarity_tp: (32x0e) x (16x0e) -> 0e scalar logits per edge
    logits = jnp.einsum('eu,ev,uv->e', qd, k, W_sim) / ((DIM_Q * DIM_K) ** 0.5)
    # edge softmax grouped by destination node
    mx = jax.ops.segment_max(logits, dst, num_segments=N)
    mx = jnp.where(jnp.isfinite(mx), mx, 0.0)
    ex = jnp.exp(logits - mx[dst])
    z = jax.ops.segment_sum(ex, dst, num_segments=N)
    alpha = ex / (z[dst] + 1e-9)
    # tp_value: (128x0e) x (Y0,Y1,Y2) -> 16x0e + 8x1o + 4x2e with per-edge weights
    Wv = vW2.reshape(HID, DIM_IN, MUL_V0 + MUL_V1 + MUL_V2) / (HID ** 0.5)
    tv = jnp.einsum('eu,huw->ehw', xs, Wv)
    s = jnp.einsum('eh,ehw->ew', hv, tv) / (DIM_IN ** 0.5)
    s0 = s[:, :MUL_V0]
    s1 = s[:, MUL_V0:MUL_V0 + MUL_V1]
    s2 = s[:, MUL_V0 + MUL_V1:]
    v1 = (s1[:, :, None] * sh1[:, None, :]).reshape(s1.shape[0], -1)
    v2 = (s2[:, :, None] * sh2[:, None, :]).reshape(s2.shape[0], -1)
    v = jnp.concatenate([s0, v1, v2], axis=-1)    # [E, 60]
    out = jax.ops.segment_sum(alpha[:, None] * v, dst, num_segments=N)  # [N, 60]
    return out

if __name__ == "__main__":
    import jax
    _d = setup_inputs()
    print(jax.jit(kernel)(*tuple(_d.values())))

</pallas_src>

<mosaic_0001>
module attributes {stable_mosaic.version = 14 : i64} {
  func.func @_q_kernel(%arg0: i32, %arg1: memref<2000x128xf32, #tpu.memory_space<vmem>>, %arg2: memref<128x32xf32, #tpu.memory_space<vmem>>, %arg3: memref<2000x32xf32, #tpu.memory_space<vmem>>) attributes {dimension_semantics = [#tpu.dimension_semantics<arbitrary>], iteration_bounds = array<i64: 5>, scalar_prefetch = 0 : i64, scratch_operands = 0 : i64, tpu.core_type = #tpu.core_type<tc>, window_params = [{transform_indices = @transform_0, window_bounds = array<i64: 2000, 128>}, {pipeline_mode = #tpu.pipeline_mode<synchronous>, transform_indices = @transform_1, window_bounds = array<i64: 128, 32>}, {transform_indices = @transform_2, window_bounds = array<i64: 2000, 32>}]} {
    %get3A = arith.constant 0 : index
    %get3A_0 = arith.constant 0 : index
    %get3A_1 = vector.load %arg1[%get3A, %get3A_0] : memref<2000x128xf32, #tpu.memory_space<vmem>>, vector<2000x128xf32>
    %get3A_2 = arith.constant 0 : index
    %get3A_3 = arith.constant 0 : index
    %get3A_4 = vector.load %arg2[%get3A_2, %get3A_3] : memref<128x32xf32, #tpu.memory_space<vmem>>, vector<128x32xf32>
    %dot_general3A = arith.constant dense<0.000000e+00> : vector<2000x32xf32>
    %dot_general3A_5 = tpu.matmul %get3A_1, %get3A_4, %dot_general3A {dimension_numbers = #tpu.dot_dimension_numbers<[1], [0], [0], [1], [0, 0, 1, 1], [], []>, transpose_lhs_hint = false} : vector<2000x128xf32>, vector<128x32xf32>, vector<2000x32xf32> -> vector<2000x32xf32>
    %div3A = arith.constant 11.3137083 : f32
    %div3A_6 = vector.broadcast %div3A : f32 to vector<2000x32xf32>
    %div3A_7 = arith.divf %dot_general3A_5, %div3A_6 : vector<2000x32xf32>
    %swap3A = arith.constant 0 : index
    %swap3A_8 = arith.constant 0 : index
    %swap3A_9 = vector.load %arg3[%swap3A, %swap3A_8] : memref<2000x32xf32, #tpu.memory_space<vmem>>, vector<2000x32xf32>
    tpu.vector_store %arg3[%swap3A, %swap3A_8], %div3A_7 {strides = array<i32>} : memref<2000x32xf32, #tpu.memory_space<vmem>>, vector<2000x32xf32>,
    return
  }
  func.func @transform_0(%arg0: i32) -> (i32, i32) {
    %c0_i32 = arith.constant 0 : i32
    %c0_i32_0 = arith.constant 0 : i32
    return %arg0, %c0_i32 : i32, i32
  }
  func.func @transform_1(%arg0: i32) -> (i32, i32) {
    %c0_i32 = arith.constant 0 : i32
    %c0_i32_0 = arith.constant 0 : i32
    %c0_i32_1 = arith.constant 0 : i32
    return %c0_i32, %c0_i32_0 : i32, i32
  }
  func.func @transform_2(%arg0: i32) -> (i32, i32) {
    %c0_i32 = arith.constant 0 : i32
    %c0_i32_0 = arith.constant 0 : i32
    return %arg0, %c0_i32 : i32, i32
  }
}

module attributes {stable_mosaic.version = 14 : i64} {
  func.func @_edge_kernel(%arg0: i32, %arg1: memref<2000x3xf32, #tpu.memory_space<vmem>>, %arg2: memref<2000x128xf32, #tpu.memory_space<vmem>>, %arg3: memref<2000x32xf32, #tpu.memory_space<vmem>>, %arg4: memref<128x256xf32, #tpu.memory_space<vmem>>, %arg5: memref<128x448xf32, #tpu.memory_space<vmem>>, %arg6: memref<32x16xf32, #tpu.memory_space<vmem>>, %arg7: memref<32x16xf32, #tpu.memory_space<vmem>>, %arg8: memref<32x16xf32, #tpu.memory_space<vmem>>, %arg9: memref<32x16xf32, #tpu.memory_space<vmem>>, %arg10: memref<8x24xf32, #tpu.memory_space<vmem>>, %arg11: memref<3x24xf32, #tpu.memory_space<vmem>>, %arg12: memref<4x20xf32, #tpu.memory_space<vmem>>, %arg13: memref<5x20xf32, #tpu.memory_space<vmem>>, %arg14: memref<2000x1xf32, #tpu.memory_space<vmem>>, %arg15: memref<2000x60xf32, #tpu.memory_space<vmem>>) attributes {dimension_semantics = [#tpu.dimension_semantics<arbitrary>], iteration_bounds = array<i64: 80>, scalar_prefetch = 0 : i64, scratch_operands = 0 : i64, tpu.core_type = #tpu.core_type<tc>, window_params = [{transform_indices = @transform_0, window_bounds = array<i64: 2000, 3>}, {transform_indices = @transform_1, window_bounds = array<i64: 2000, 128>}, {transform_indices = @transform_2, window_bounds = array<i64: 2000, 32>}, {pipeline_mode = #tpu.pipeline_mode<synchronous>, transform_indices = @transform_3, window_bounds = array<i64: 128, 256>}, {pipeline_mode = #tpu.pipeline_mode<synchronous>, transform_indices = @transform_4, window_bounds = array<i64: 128, 448>}, {pipeline_mode = #tpu.pipeline_mode<synchronous>, transform_indices = @transform_5, window_bounds = array<i64: 32, 16>}, {pipeline_mode = #tpu.pipeline_mode<synchronous>, transform_indices = @transform_6, window_bounds = array<i64: 32, 16>}, {pipeline_mode = #tpu.pipeline_mode<synchronous>, transform_indices = @transform_7, window_bounds = array<i64: 32, 16>}, {pipeline_mode = #tpu.pipeline_mode<synchronous>, transform_indices = @transform_8, window_bounds = array<i64: 32, 16>}, {pipeline_mode = #tpu.pipeline_mode<synchronous>, transform_indices = @transform_9, window_bounds = array<i64: 8, 24>}, {pipeline_mode = #tpu.pipeline_mode<synchronous>, transform_indices = @transform_10, window_bounds = array<i64: 3, 24>}, {pipeline_mode = #tpu.pipeline_mode<synchronous>, transform_indices = @transform_11, window_bounds = array<i64: 4, 20>}, {pipeline_mode = #tpu.pipeline_mode<synchronous>, transform_indices = @transform_12, window_bounds = array<i64: 5, 20>}, {transform_indices = @transform_13, window_bounds = array<i64: 2000, 1>}, {transform_indices = @transform_14, window_bounds = array<i64: 2000, 60>}]} {
    %get3A = arith.constant 0 : index
    %get3A_0 = arith.constant 0 : index
    %get3A_1 = vector.load %arg1[%get3A, %get3A_0] : memref<2000x3xf32, #tpu.memory_space<vmem>>, vector<2000x3xf32>
    %mul3A = arith.mulf %get3A_1, %get3A_1 : vector<2000x3xf32>
    %reduce_sum3A = arith.constant dense<0.000000e+00> : vector<2000xf32>
    %reduce_sum3A_2 = vector.multi_reduction <add>, %mul3A, %reduce_sum3A [1] : vector<2000x3xf32> to vector<2000xf32>
    %broadcast_in_dim3A = vector.shape_cast %reduce_sum3A_2 : vector<2000xf32> to vector<2000x1xf32>
    %sqrt3A = math.sqrt %broadcast_in_dim3A : vector<2000x1xf32>
    %add3A = arith.constant 9.99999971E-10 : f32
    %add3A_3 = vector.broadcast %add3A : f32 to vector<2000x1xf32>
    %add3A_4 = arith.addf %sqrt3A, %add3A_3 : vector<2000x1xf32>
    %div3A = vector.broadcast %add3A_4 : vector<2000x1xf32> to vector<2000x3xf32>
    %div3A_5 = arith.divf %get3A_1, %div3A : vector<2000x3xf32>
    %mul3A_6 = arith.constant 1.73205078 : f32
    %mul3A_7 = vector.broadcast %mul3A_6 : f32 to vector<2000x3xf32>
    %mul3A_8 = arith.mulf %mul3A_7, %div3A_5 : vector<2000x3xf32>
    %slice3A = vector.extract_strided_slice %div3A_5 {offsets = [0, 0], sizes = [2000, 1], strides = [1, 1]} : vector<2000x3xf32> to vector<2000x1xf32>
    %slice3A_9 = vector.extract_strided_slice %div3A_5 {offsets = [0, 1], sizes = [2000, 1], strides = [1, 1]} : vector<2000x3xf32> to vector<2000x1xf32>
    %slice3A_10 = vector.extract_strided_slice %div3A_5 {offsets = [0, 2], sizes = [2000, 1], strides = [1, 1]} : vector<2000x3xf32> to vector<2000x1xf32>
    %mul3A_11 = arith.constant 3.87298346 : f32
    %mul3A_12 = vector.broadcast %mul3A_11 : f32 to vector<2000x1xf32>
    %mul3A_13 = arith.mulf %mul3A_12, %slice3A : vector<2000x1xf32>
    %mul3A_14 = arith.mulf %mul3A_13, %slice3A_9 : vector<2000x1xf32>
    %mul3A_15 = arith.constant 3.87298346 : f32
    %mul3A_16 = vector.broadcast %mul3A_15 : f32 to vector<2000x1xf32>
    %mul3A_17 = arith.mulf %mul3A_16, %slice3A_9 : vector<2000x1xf32>
    %mul3A_18 = arith.mulf %mul3A_17, %slice3A_10 : vector<2000x1xf32>
    %mul3A_19 = arith.constant 3.000000e+00 : f32
    %mul3A_20 = vector.broadcast %mul3A_19 : f32 to vector<2000x1xf32>
    %mul3A_21 = arith.mulf %mul3A_20, %slice3A_10 : vector<2000x1xf32>
    %mul3A_22 = arith.mulf %mul3A_21, %slice3A_10 : vector<2000x1xf32>
    %sub3A = arith.constant 1.000000e+00 : f32
    %sub3A_23 = vector.broadcast %sub3A : f32 to vector<2000x1xf32>
    %sub3A_24 = arith.subf %mul3A_22, %sub3A_23 : vector<2000x1xf32>
    %mul3A_25 = arith.constant 1.11803401 : f32
    %mul3A_26 = vector.broadcast %mul3A_25 : f32 to vector<2000x1xf32>
    %mul3A_27 = arith.mulf %mul3A_26, %sub3A_24 : vector<2000x1xf32>
    %mul3A_28 = arith.constant 3.87298346 : f32
    %mul3A_29 = vector.broadcast %mul3A_28 : f32 to vector<2000x1xf32>
    %mul3A_30 = arith.mulf %mul3A_29, %slice3A : vector<2000x1xf32>
    %mul3A_31 = arith.mulf %mul3A_30, %slice3A_10 : vector<2000x1xf32>
    %mul3A_32 = arith.mulf %slice3A, %slice3A : vector<2000x1xf32>
    %mul3A_33 = arith.mulf %slice3A_9, %slice3A_9 : vector<2000x1xf32>
    %sub3A_34 = arith.subf %mul3A_32, %mul3A_33 : vector<2000x1xf32>
    %mul3A_35 = arith.constant 1.93649173 : f32
    %mul3A_36 = vector.broadcast %mul3A_35 : f32 to vector<2000x1xf32>
    %mul3A_37 = arith.mulf %mul3A_36, %sub3A_34 : vector<2000x1xf32>
    %concatenate3A = tpu.concatenate %mul3A_14, %mul3A_18, %mul3A_27, %mul3A_31, %mul3A_37 in 1 : vector<2000x1xf32>, vector<2000x1xf32>, vector<2000x1xf32>, vector<2000x1xf32>, vector<2000x1xf32> -> vector<2000x5xf32>
    %iota3A = tpu.iota {dimensions = array<i32: 1>} : vector<1x32xi32>
    %convert_element_type3A = arith.sitofp %iota3A : vector<1x32xi32> to vector<1x32xf32>
    %mul3A_38 = arith.constant 0.112903222 : f32
    %mul3A_39 = vector.broadcast %mul3A_38 : f32 to vector<1x32xf32>
    %mul3A_40 = arith.mulf %convert_element_type3A, %mul3A_39 : vector<1x32xf32>
    %sub3A_41 = vector.broadcast %sqrt3A : vector<2000x1xf32> to vector<2000x32xf32>
    %sub3A_42 = vector.broadcast %mul3A_40 : vector<1x32xf32> to vector<2000x32xf32>
    %sub3A_43 = arith.subf %sub3A_41, %sub3A_42 : vector<2000x32xf32>
    %div3A_44 = arith.constant 1.093750e-01 : f32
    %div3A_45 = vector.broadcast %div3A_44 : f32 to vector<2000x32xf32>
    %div3A_46 = arith.divf %sub3A_43, %div3A_45 : vector<2000x32xf32>
    %integer_pow3A = arith.mulf %div3A_46, %div3A_46 : vector<2000x32xf32>
    %mul3A_47 = arith.constant -5.000000e-01 : f32
    %mul3A_48 = vector.broadcast %mul3A_47 : f32 to vector<2000x32xf32>
    %mul3A_49 = arith.mulf %mul3A_48, %integer_pow3A : vector<2000x32xf32>
    %exp3A = math.exp %mul3A_49 : vector<2000x32xf32>
    %mul3A_50 = arith.constant 5.65685415 : f32
    %mul3A_51 = vector.broadcast %mul3A_50 : f32 to vector<2000x32xf32>
    %mul3A_52 = arith.mulf %exp3A, %mul3A_51 : vector<2000x32xf32>
    %mul3A_53 = arith.mulf %exp3A, %exp3A : vector<2000x32xf32>
    %reduce_sum3A_54 = arith.constant dense<0.000000e+00> : vector<2000xf32>
    %reduce_sum3A_55 = vector.multi_reduction <add>, %mul3A_53, %reduce_sum3A_54 [1] : vector<2000x32xf32> to vector<2000xf32>
    %broadcast_in_dim3A_56 = vector.shape_cast %reduce_sum3A_55 : vector<2000xf32> to vector<2000x1xf32>
    %sqrt3A_57 = math.sqrt %broadcast_in_dim3A_56 : vector<2000x1xf32>
    %add3A_58 = arith.constant 9.99999971E-10 : f32
    %add3A_59 = vector.broadcast %add3A_58 : f32 to vector<2000x1xf32>
    %add3A_60 = arith.addf %sqrt3A_57, %add3A_59 : vector<2000x1xf32>
    %div3A_61 = vector.broadcast %add3A_60 : vector<2000x1xf32> to vector<2000x32xf32>
    %div3A_62 = arith.divf %mul3A_52, %div3A_61 : vector<2000x32xf32>
    %get3A_63 = arith.constant 0 : index
    %get3A_64 = arith.constant 0 : index
    %get3A_65 = vector.load %arg6[%get3A_63, %get3A_64] : memref<32x16xf32, #tpu.memory_space<vmem>>, vector<32x16xf32>
    %dot_general3A = arith.constant dense<0.000000e+00> : vector<2000x16xf32>
    %dot_general3A_66 = tpu.matmul %div3A_62, %get3A_65, %dot_general3A {dimension_numbers = #tpu.dot_dimension_numbers<[1], [0], [0], [1], [0, 0, 1, 1], [], []>, transpose_lhs_hint = false} : vector<2000x32xf32>, vector<32x16xf32>, vector<2000x16xf32> -> vector<2000x16xf32>
    %div3A_67 = arith.constant 5.65685415 : f32
    %div3A_68 = vector.broadcast %div3A_67 : f32 to vector<2000x16xf32>
    %div3A_69 = arith.divf %dot_general3A_66, %div3A_68 : vector<2000x16xf32>
    %logistic3A = arith.negf %div3A_69 : vector<2000x16xf32>
    %logistic3A_70 = math.exp %logistic3A : vector<2000x16xf32>
    %logistic3A_71 = arith.constant 1.000000e+00 : f32
    %logistic3A_72 = vector.broadcast %logistic3A_71 : f32 to vector<2000x16xf32>
    %logistic3A_73 = arith.addf %logistic3A_72, %logistic3A_70 : vector<2000x16xf32>
    %logistic3A_74 = arith.divf %logistic3A_72, %logistic3A_73 : vector<2000x16xf32>
    %mul3A_75 = arith.mulf %div3A_69, %logistic3A_74 : vector<2000x16xf32>
    %get3A_76 = arith.constant 0 : index
    %get3A_77 = arith.constant 0 : index
    %get3A_78 = vector.load %arg7[%get3A_76, %get3A_77] : memref<32x16xf32, #tpu.memory_space<vmem>>, vector<32x16xf32>
    %dot_general3A_79 = arith.constant dense<0.000000e+00> : vector<2000x16xf32>
    %dot_general3A_80 = tpu.matmul %div3A_62, %get3A_78, %dot_general3A_79 {dimension_numbers = #tpu.dot_dimension_numbers<[1], [0], [0], [1], [0, 0, 1, 1], [], []>, transpose_lhs_hint = false} : vector<2000x32xf32>, vector<32x16xf32>, vector<2000x16xf32> -> vector<2000x16xf32>
    %div3A_81 = arith.constant 5.65685415 : f32
    %div3A_82 = vector.broadcast %div3A_81 : f32 to vector<2000x16xf32>
    %div3A_83 = arith.divf %dot_general3A_80, %div3A_82 : vector<2000x16xf32>
    %logistic3A_84 = arith.negf %div3A_83 : vector<2000x16xf32>
    %logistic3A_85 = math.exp %logistic3A_84 : vector<2000x16xf32>
    %logistic3A_86 = arith.constant 1.000000e+00 : f32
    %logistic3A_87 = vector.broadcast %logistic3A_86 : f32 to vector<2000x16xf32>
    %logistic3A_88 = arith.addf %logistic3A_87, %logistic3A_85 : vector<2000x16xf32>
    %logistic3A_89 = arith.divf %logistic3A_87, %logistic3A_88 : vector<2000x16xf32>
    %mul3A_90 = arith.mulf %div3A_83, %logistic3A_89 : vector<2000x16xf32>
    %get3A_91 = arith.constant 0 : index
    %get3A_92 = arith.constant 0 : index
    %get3A_93 = vector.load %arg2[%get3A_91, %get3A_92] : memref<2000x128xf32, #tpu.memory_space<vmem>>, vector<2000x128xf32>
    %get3A_94 = arith.constant 0 : index
    %get3A_95 = arith.constant 0 : index
    %get3A_96 = vector.load %arg3[%get3A_94, %get3A_95] : memref<2000x32xf32, #tpu.memory_space<vmem>>, vector<2000x32xf32>
    %get3A_97 = arith.constant 0 : index
    %get3A_98 = arith.constant 0 : index
    %get3A_99 = vector.load %arg4[%get3A_97, %get3A_98] : memref<128x256xf32, #tpu.memory_space<vmem>>, vector<128x256xf32>
    %dot_general3A_100 = arith.constant dense<0.000000e+00> : vector<2000x256xf32>
    %dot_general3A_101 = tpu.matmul %get3A_93, %get3A_99, %dot_general3A_100 {dimension_numbers = #tpu.dot_dimension_numbers<[1], [0], [0], [1], [0, 0, 1, 1], [], []>, transpose_lhs_hint = false} : vector<2000x128xf32>, vector<128x256xf32>, vector<2000x256xf32> -> vector<2000x256xf32>
    %broadcast_in_dim3A_102 = arith.constant 0.000000e+00 : f32
    %broadcast_in_dim3A_103 = vector.broadcast %broadcast_in_dim3A_102 : f32 to vector<2000x16xf32>
    %slice3A_104 = vector.extract_strided_slice %mul3A_75 {offsets = [0, 0], sizes = [2000, 1], strides = [1, 1]} : vector<2000x16xf32> to vector<2000x1xf32>
    %slice3A_105 = vector.extract_strided_slice %dot_general3A_101 {offsets = [0, 0], sizes = [2000, 16], strides = [1, 1]} : vector<2000x256xf32> to vector<2000x16xf32>
    %mul3A_106 = vector.broadcast %slice3A_104 : vector<2000x1xf32> to vector<2000x16xf32>
    %mul3A_107 = arith.mulf %mul3A_106, %slice3A_105 : vector<2000x16xf32>
    %add3A_108 = arith.addf %broadcast_in_dim3A_103, %mul3A_107 : vector<2000x16xf32>
    %slice3A_109 = vector.extract_strided_slice %mul3A_75 {offsets = [0, 1], sizes = [2000, 1], strides = [1, 1]} : vector<2000x16xf32> to vector<2000x1xf32>
    %slice3A_110 = vector.extract_strided_slice %dot_general3A_101 {offsets = [0, 16], sizes = [2000, 16], strides = [1, 1]} : vector<2000x256xf32> to vector<2000x16xf32>
    %mul3A_111 = vector.broadcast %slice3A_109 : vector<2000x1xf32> to vector<2000x16xf32>
    %mul3A_112 = arith.mulf %mul3A_111, %slice3A_110 : vector<2000x16xf32>
    %add3A_113 = arith.addf %add3A_108, %mul3A_112 : vector<2000x16xf32>
    %slice3A_114 = vector.extract_strided_slice %mul3A_75 {offsets = [0, 2], sizes = [2000, 1], strides = [1, 1]} : vector<2000x16xf32> to vector<2000x1xf32>
    %slice3A_115 = vector.extract_strided_slice %dot_general3A_101 {offsets = [0, 32], sizes = [2000, 16], strides = [1, 1]} : vector<2000x256xf32> to vector<2000x16xf32>
    %mul3A_116 = vector.broadcast %slice3A_114 : vector<2000x1xf32> to vector<2000x16xf32>
    %mul3A_117 = arith.mulf %mul3A_116, %slice3A_115 : vector<2000x16xf32>
    %add3A_118 = arith.addf %add3A_113, %mul3A_117 : vector<2000x16xf32>
    %slice3A_119 = vector.extract_strided_slice %mul3A_75 {offsets = [0, 3], sizes = [2000, 1], strides = [1, 1]} : vector<2000x16xf32> to vector<2000x1xf32>
    %slice3A_120 = vector.extract_strided_slice %dot_general3A_101 {offsets = [0, 48], sizes = [2000, 16], strides = [1, 1]} : vector<2000x256xf32> to vector<2000x16xf32>
    %mul3A_121 = vector.broadcast %slice3A_119 : vector<2000x1xf32> to vector<2000x16xf32>
    %mul3A_122 = arith.mulf %mul3A_121, %slice3A_120 : vector<2000x16xf32>
    %add3A_123 = arith.addf %add3A_118, %mul3A_122 : vector<2000x16xf32>
    %slice3A_124 = vector.extract_strided_slice %mul3A_75 {offsets = [0, 4], sizes = [2000, 1], strides = [1, 1]} : vector<2000x16xf32> to vector<2000x1xf32>
    %slice3A_125 = vector.extract_strided_slice %dot_general3A_101 {offsets = [0, 64], sizes = [2000, 16], strides = [1, 1]} : vector<2000x256xf32> to vector<2000x16xf32>
    %mul3A_126 = vector.broadcast %slice3A_124 : vector<2000x1xf32> to vector<2000x16xf32>
    %mul3A_127 = arith.mulf %mul3A_126, %slice3A_125 : vector<2000x16xf32>
    %add3A_128 = arith.addf %add3A_123, %mul3A_127 : vector<2000x16xf32>
    %slice3A_129 = vector.extract_strided_slice %mul3A_75 {offsets = [0, 5], sizes = [2000, 1], strides = [1, 1]} : vector<2000x16xf32> to vector<2000x1xf32>
    %slice3A_130 = vector.extract_strided_slice %dot_general3A_101 {offsets = [0, 80], sizes = [2000, 16], strides = [1, 1]} : vector<2000x256xf32> to vector<2000x16xf32>
    %mul3A_131 = vector.broadcast %slice3A_129 : vector<2000x1xf32> to vector<2000x16xf32>
    %mul3A_132 = arith.mulf %mul3A_131, %slice3A_130 : vector<2000x16xf32>
    %add3A_133 = arith.addf %add3A_128, %mul3A_132 : vector<2000x16xf32>
    %slice3A_134 = vector.extract_strided_slice %mul3A_75 {offsets = [0, 6], sizes = [2000, 1], strides = [1, 1]} : vector<2000x16xf32> to vector<2000x1xf32>
    %slice3A_135 = vector.extract_strided_slice %dot_general3A_101 {offsets = [0, 96], sizes = [2000, 16], strides = [1, 1]} : vector<2000x256xf32> to vector<2000x16xf32>
    %mul3A_136 = vector.broadcast %slice3A_134 : vector<2000x1xf32> to vector<2000x16xf32>
    %mul3A_137 = arith.mulf %mul3A_136, %slice3A_135 : vector<2000x16xf32>
    %add3A_138 = arith.addf %add3A_133, %mul3A_137 : vector<2000x16xf32>
    %slice3A_139 = vector.extract_strided_slice %mul3A_75 {offsets = [0, 7], sizes = [2000, 1], strides = [1, 1]} : vector<2000x16xf32> to vector<2000x1xf32>
    %slice3A_140 = vector.extract_strided_slice %dot_general3A_101 {offsets = [0, 112], sizes = [2000, 16], strides = [1, 1]} : vector<2000x256xf32> to vector<2000x16xf32>
    %mul3A_141 = vector.broadcast %slice3A_139 : vector<2000x1xf32> to vector<2000x16xf32>
    %mul3A_142 = arith.mulf %mul3A_141, %slice3A_140 : vector<2000x16xf32>
    %add3A_143 = arith.addf %add3A_138, %mul3A_142 : vector<2000x16xf32>
    %slice3A_144 = vector.extract_strided_slice %mul3A_75 {offsets = [0, 8], sizes = [2000, 1], strides = [1, 1]} : vector<2000x16xf32> to vector<2000x1xf32>
    %slice3A_145 = vector.extract_strided_slice %dot_general3A_101 {offsets = [0, 128], sizes = [2000, 16], strides = [1, 1]} : vector<2000x256xf32> to vector<2000x16xf32>
    %mul3A_146 = vector.broadcast %slice3A_144 : vector<2000x1xf32> to vector<2000x16xf32>
    %mul3A_147 = arith.mulf %mul3A_146, %slice3A_145 : vector<2000x16xf32>
    %add3A_148 = arith.addf %add3A_143, %mul3A_147 : vector<2000x16xf32>
    %slice3A_149 = vector.extract_strided_slice %mul3A_75 {offsets = [0, 9], sizes = [2000, 1], strides = [1, 1]} : vector<2000x16xf32> to vector<2000x1xf32>
    %slice3A_150 = vector.extract_strided_slice %dot_general3A_101 {offsets = [0, 144], sizes = [2000, 16], strides = [1, 1]} : vector<2000x256xf32> to vector<2000x16xf32>
    %mul3A_151 = vector.broadcast %slice3A_149 : vector<2000x1xf32> to vector<2000x16xf32>
    %mul3A_152 = arith.mulf %mul3A_151, %slice3A_150 : vector<2000x16xf32>
    %add3A_153 = arith.addf %add3A_148, %mul3A_152 : vector<2000x16xf32>
    %slice3A_154 = vector.extract_strided_slice %mul3A_75 {offsets = [0, 10], sizes = [2000, 1], strides = [1, 1]} : vector<2000x16xf32> to vector<2000x1xf32>
    %slice3A_155 = vector.extract_strided_slice %dot_general3A_101 {offsets = [0, 160], sizes = [2000, 16], strides = [1, 1]} : vector<2000x256xf32> to vector<2000x16xf32>
    %mul3A_156 = vector.broadcast %slice3A_154 : vector<2000x1xf32> to vector<2000x16xf32>
    %mul3A_157 = arith.mulf %mul3A_156, %slice3A_155 : vector<2000x16xf32>
    %add3A_158 = arith.addf %add3A_153, %mul3A_157 : vector<2000x16xf32>
    %slice3A_159 = vector.extract_strided_slice %mul3A_75 {offsets = [0, 11], sizes = [2000, 1], strides = [1, 1]} : vector<2000x16xf32> to vector<2000x1xf32>
    %slice3A_160 = vector.extract_strided_slice %dot_general3A_101 {offsets = [0, 176], sizes = [2000, 16], strides = [1, 1]} : vector<2000x256xf32> to vector<2000x16xf32>
    %mul3A_161 = vector.broadcast %slice3A_159 : vector<2000x1xf32> to vector<2000x16xf32>
    %mul3A_162 = arith.mulf %mul3A_161, %slice3A_160 : vector<2000x16xf32>
    %add3A_163 = arith.addf %add3A_158, %mul3A_162 : vector<2000x16xf32>
    %slice3A_164 = vector.extract_strided_slice %mul3A_75 {offsets = [0, 12], sizes = [2000, 1], strides = [1, 1]} : vector<2000x16xf32> to vector<2000x1xf32>
    %slice3A_165 = vector.extract_strided_slice %dot_general3A_101 {offsets = [0, 192], sizes = [2000, 16], strides = [1, 1]} : vector<2000x256xf32> to vector<2000x16xf32>
    %mul3A_166 = vector.broadcast %slice3A_164 : vector<2000x1xf32> to vector<2000x16xf32>
    %mul3A_167 = arith.mulf %mul3A_166, %slice3A_165 : vector<2000x16xf32>
    %add3A_168 = arith.addf %add3A_163, %mul3A_167 : vector<2000x16xf32>
    %slice3A_169 = vector.extract_strided_slice %mul3A_75 {offsets = [0, 13], sizes = [2000, 1], strides = [1, 1]} : vector<2000x16xf32> to vector<2000x1xf32>
    %slice3A_170 = vector.extract_strided_slice %dot_general3A_101 {offsets = [0, 208], sizes = [2000, 16], strides = [1, 1]} : vector<2000x256xf32> to vector<2000x16xf32>
    %mul3A_171 = vector.broadcast %slice3A_169 : vector<2000x1xf32> to vector<2000x16xf32>
    %mul3A_172 = arith.mulf %mul3A_171, %slice3A_170 : vector<2000x16xf32>
    %add3A_173 = arith.addf %add3A_168, %mul3A_172 : vector<2000x16xf32>
    %slice3A_174 = vector.extract_strided_slice %mul3A_75 {offsets = [0, 14], sizes = [2000, 1], strides = [1, 1]} : vector<2000x16xf32> to vector<2000x1xf32>
    %slice3A_175 = vector.extract_strided_slice %dot_general3A_101 {offsets = [0, 224], sizes = [2000, 16], strides = [1, 1]} : vector<2000x256xf32> to vector<2000x16xf32>
    %mul3A_176 = vector.broadcast %slice3A_174 : vector<2000x1xf32> to vector<2000x16xf32>
    %mul3A_177 = arith.mulf %mul3A_176, %slice3A_175 : vector<2000x16xf32>
    %add3A_178 = arith.addf %add3A_173, %mul3A_177 : vector<2000x16xf32>
    %slice3A_179 = vector.extract_strided_slice %mul3A_75 {offsets = [0, 15], sizes = [2000, 1], strides = [1, 1]} : vector<2000x16xf32> to vector<2000x1xf32>
    %slice3A_180 = vector.extract_strided_slice %dot_general3A_101 {offsets = [0, 240], sizes = [2000, 16], strides = [1, 1]} : vector<2000x256xf32> to vector<2000x16xf32>
    %mul3A_181 = vector.broadcast %slice3A_179 : vector<2000x1xf32> to vector<2000x16xf32>
    %mul3A_182 = arith.mulf %mul3A_181, %slice3A_180 : vector<2000x16xf32>
    %add3A_183 = arith.addf %add3A_178, %mul3A_182 : vector<2000x16xf32>
    %div3A_184 = arith.constant 11.3137083 : f32
    %div3A_185 = vector.broadcast %div3A_184 : f32 to vector<2000x16xf32>
    %div3A_186 = arith.divf %add3A_183, %div3A_185 : vector<2000x16xf32>
    %get3A_187 = arith.constant 0 : index
    %get3A_188 = arith.constant 0 : index
    %get3A_189 = vector.load %arg8[%get3A_187, %get3A_188] : memref<32x16xf32, #tpu.memory_space<vmem>>, vector<32x16xf32>
    %dot_general3A_190 = arith.constant dense<0.000000e+00> : vector<2000x16xf32>
    %dot_general3A_191 = tpu.matmul %get3A_96, %get3A_189, %dot_general3A_190 {dimension_numbers = #tpu.dot_dimension_numbers<[1], [0], [0], [1], [0, 0, 1, 1], [], []>, transpose_lhs_hint = false} : vector<2000x32xf32>, vector<32x16xf32>, vector<2000x16xf32> -> vector<2000x16xf32>
    %div3A_192 = arith.constant 5.65685415 : f32
    %div3A_193 = vector.broadcast %div3A_192 : f32 to vector<2000x16xf32>
    %div3A_194 = arith.divf %dot_general3A_191, %div3A_193 : vector<2000x16xf32>
    %add3A_195 = arith.addf %div3A_186, %div3A_194 : vector<2000x16xf32>
    %get3A_196 = arith.constant 0 : index
    %get3A_197 = arith.constant 0 : index
    %get3A_198 = vector.load %arg9[%get3A_196, %get3A_197] : memref<32x16xf32, #tpu.memory_space<vmem>>, vector<32x16xf32>
    %dot_general3A_199 = arith.constant dense<0.000000e+00> : vector<2000x16xf32>
    %dot_general3A_200 = tpu.matmul %get3A_96, %get3A_198, %dot_general3A_199 {dimension_numbers = #tpu.dot_dimension_numbers<[1], [0], [0], [1], [0, 0, 1, 1], [], []>, transpose_lhs_hint = false} : vector<2000x32xf32>, vector<32x16xf32>, vector<2000x16xf32> -> vector<2000x16xf32>
    %mul3A_201 = arith.mulf %dot_general3A_200, %add3A_195 : vector<2000x16xf32>
    %reduce_sum3A_202 = arith.constant dense<0.000000e+00> : vector<2000xf32>
    %reduce_sum3A_203 = vector.multi_reduction <add>, %mul3A_201, %reduce_sum3A_202 [1] : vector<2000x16xf32> to vector<2000xf32>
    %broadcast_in_dim3A_204 = vector.shape_cast %reduce_sum3A_203 : vector<2000xf32> to vector<2000x1xf32>
    %div3A_205 = arith.constant 22.6274166 : f32
    %div3A_206 = vector.broadcast %div3A_205 : f32 to vector<2000x1xf32>
    %div3A_207 = arith.divf %broadcast_in_dim3A_204, %div3A_206 : vector<2000x1xf32>
    %get3A_208 = arith.constant 0 : index
    %get3A_209 = arith.constant 0 : index
    %get3A_210 = vector.load %arg5[%get3A_208, %get3A_209] : memref<128x448xf32, #tpu.memory_space<vmem>>, vector<128x448xf32>
    %dot_general3A_211 = arith.constant dense<0.000000e+00> : vector<2000x448xf32>
    %dot_general3A_212 = tpu.matmul %get3A_93, %get3A_210, %dot_general3A_211 {dimension_numbers = #tpu.dot_dimension_numbers<[1], [0], [0], [1], [0, 0, 1, 1], [], []>, transpose_lhs_hint = false} : vector<2000x128xf32>, vector<128x448xf32>, vector<2000x448xf32> -> vector<2000x448xf32>
    %broadcast_in_dim3A_213 = arith.constant 0.000000e+00 : f32
    %broadcast_in_dim3A_214 = vector.broadcast %broadcast_in_dim3A_213 : f32 to vector<2000x28xf32>
    %slice3A_215 = vector.extract_strided_slice %mul3A_90 {offsets = [0, 0], sizes = [2000, 1], strides = [1, 1]} : vector<2000x16xf32> to vector<2000x1xf32>
    %slice3A_216 = vector.extract_strided_slice %dot_general3A_212 {offsets = [0, 0], sizes = [2000, 28], strides = [1, 1]} : vector<2000x448xf32> to vector<2000x28xf32>
    %mul3A_217 = vector.broadcast %slice3A_215 : vector<2000x1xf32> to vector<2000x28xf32>
    %mul3A_218 = arith.mulf %mul3A_217, %slice3A_216 : vector<2000x28xf32>
    %add3A_219 = arith.addf %broadcast_in_dim3A_214, %mul3A_218 : vector<2000x28xf32>
    %slice3A_220 = vector.extract_strided_slice %mul3A_90 {offsets = [0, 1], sizes = [2000, 1], strides = [1, 1]} : vector<2000x16xf32> to vector<2000x1xf32>
    %slice3A_221 = vector.extract_strided_slice %dot_general3A_212 {offsets = [0, 28], sizes = [2000, 28], strides = [1, 1]} : vector<2000x448xf32> to vector<2000x28xf32>
    %mul3A_222 = vector.broadcast %slice3A_220 : vector<2000x1xf32> to vector<2000x28xf32>
    %mul3A_223 = arith.mulf %mul3A_222, %slice3A_221 : vector<2000x28xf32>
    %add3A_224 = arith.addf %add3A_219, %mul3A_223 : vector<2000x28xf32>
    %slice3A_225 = vector.extract_strided_slice %mul3A_90 {offsets = [0, 2], sizes = [2000, 1], strides = [1, 1]} : vector<2000x16xf32> to vector<2000x1xf32>
    %slice3A_226 = vector.extract_strided_slice %dot_general3A_212 {offsets = [0, 56], sizes = [2000, 28], strides = [1, 1]} : vector<2000x448xf32> to vector<2000x28xf32>
    %mul3A_227 = vector.broadcast %slice3A_225 : vector<2000x1xf32> to vector<2000x28xf32>
    %mul3A_228 = arith.mulf %mul3A_227, %slice3A_226 : vector<2000x28xf32>
    %add3A_229 = arith.addf %add3A_224, %mul3A_228 : vector<2000x28xf32>
    %slice3A_230 = vector.extract_strided_slice %mul3A_90 {offsets = [0, 3], sizes = [2000, 1], strides = [1, 1]} : vector<2000x16xf32> to vector<2000x1xf32>
    %slice3A_231 = vector.extract_strided_slice %dot_general3A_212 {offsets = [0, 84], sizes = [2000, 28], strides = [1, 1]} : vector<2000x448xf32> to vector<2000x28xf32>
    %mul3A_232 = vector.broadcast %slice3A_230 : vector<2000x1xf32> to vector<2000x28xf32>
    %mul3A_233 = arith.mulf %mul3A_232, %slice3A_231 : vector<2000x28xf32>
    %add3A_234 = arith.addf %add3A_229, %mul3A_233 : vector<2000x28xf32>
    %slice3A_235 = vector.extract_strided_slice %mul3A_90 {offsets = [0, 4], sizes = [2000, 1], strides = [1, 1]} : vector<2000x16xf32> to vector<2000x1xf32>
    %slice3A_236 = vector.extract_strided_slice %dot_general3A_212 {offsets = [0, 112], sizes = [2000, 28], strides = [1, 1]} : vector<2000x448xf32> to vector<2000x28xf32>
    %mul3A_237 = vector.broadcast %slice3A_235 : vector<2000x1xf32> to vector<2000x28xf32>
    %mul3A_238 = arith.mulf %mul3A_237, %slice3A_236 : vector<2000x28xf32>
    %add3A_239 = arith.addf %add3A_234, %mul3A_238 : vector<2000x28xf32>
    %slice3A_240 = vector.extract_strided_slice %mul3A_90 {offsets = [0, 5], sizes = [2000, 1], strides = [1, 1]} : vector<2000x16xf32> to vector<2000x1xf32>
    %slice3A_241 = vector.extract_strided_slice %dot_general3A_212 {offsets = [0, 140], sizes = [2000, 28], strides = [1, 1]} : vector<2000x448xf32> to vector<2000x28xf32>
    %mul3A_242 = vector.broadcast %slice3A_240 : vector<2000x1xf32> to vector<2000x28xf32>
    %mul3A_243 = arith.mulf %mul3A_242, %slice3A_241 : vector<2000x28xf32>
    %add3A_244 = arith.addf %add3A_239, %mul3A_243 : vector<2000x28xf32>
    %slice3A_245 = vector.extract_strided_slice %mul3A_90 {offsets = [0, 6], sizes = [2000, 1], strides = [1, 1]} : vector<2000x16xf32> to vector<2000x1xf32>
    %slice3A_246 = vector.extract_strided_slice %dot_general3A_212 {offsets = [0, 168], sizes = [2000, 28], strides = [1, 1]} : vector<2000x448xf32> to vector<2000x28xf32>
    %mul3A_247 = vector.broadcast %slice3A_245 : vector<2000x1xf32> to vector<2000x28xf32>
    %mul3A_248 = arith.mulf %mul3A_247, %slice3A_246 : vector<2000x28xf32>
    %add3A_249 = arith.addf %add3A_244, %mul3A_248 : vector<2000x28xf32>
    %slice3A_250 = vector.extract_strided_slice %mul3A_90 {offsets = [0, 7], sizes = [2000, 1], strides = [1, 1]} : vector<2000x16xf32> to vector<2000x1xf32>
    %slice3A_251 = vector.extract_strided_slice %dot_general3A_212 {offsets = [0, 196], sizes = [2000, 28], strides = [1, 1]} : vector<2000x448xf32> to vector<2000x28xf32>
    %mul3A_252 = vector.broadcast %slice3A_250 : vector<2000x1xf32> to vector<2000x28xf32>
    %mul3A_253 = arith.mulf %mul3A_252, %slice3A_251 : vector<2000x28xf32>
    %add3A_254 = arith.addf %add3A_249, %mul3A_253 : vector<2000x28xf32>
    %slice3A_255 = vector.extract_strided_slice %mul3A_90 {offsets = [0, 8], sizes = [2000, 1], strides = [1, 1]} : vector<2000x16xf32> to vector<2000x1xf32>
    %slice3A_256 = vector.extract_strided_slice %dot_general3A_212 {offsets = [0, 224], sizes = [2000, 28], strides = [1, 1]} : vector<2000x448xf32> to vector<2000x28xf32>
    %mul3A_257 = vector.broadcast %slice3A_255 : vector<2000x1xf32> to vector<2000x28xf32>
    %mul3A_258 = arith.mulf %mul3A_257, %slice3A_256 : vector<2000x28xf32>
    %add3A_259 = arith.addf %add3A_254, %mul3A_258 : vector<2000x28xf32>
    %slice3A_260 = vector.extract_strided_slice %mul3A_90 {offsets = [0, 9], sizes = [2000, 1], strides = [1, 1]} : vector<2000x16xf32> to vector<2000x1xf32>
    %slice3A_261 = vector.extract_strided_slice %dot_general3A_212 {offsets = [0, 252], sizes = [2000, 28], strides = [1, 1]} : vector<2000x448xf32> to vector<2000x28xf32>
    %mul3A_262 = vector.broadcast %slice3A_260 : vector<2000x1xf32> to vector<2000x28xf32>
    %mul3A_263 = arith.mulf %mul3A_262, %slice3A_261 : vector<2000x28xf32>
    %add3A_264 = arith.addf %add3A_259, %mul3A_263 : vector<2000x28xf32>
    %slice3A_265 = vector.extract_strided_slice %mul3A_90 {offsets = [0, 10], sizes = [2000, 1], strides = [1, 1]} : vector<2000x16xf32> to vector<2000x1xf32>
    %slice3A_266 = vector.extract_strided_slice %dot_general3A_212 {offsets = [0, 280], sizes = [2000, 28], strides = [1, 1]} : vector<2000x448xf32> to vector<2000x28xf32>
    %mul3A_267 = vector.broadcast %slice3A_265 : vector<2000x1xf32> to vector<2000x28xf32>
    %mul3A_268 = arith.mulf %mul3A_267, %slice3A_266 : vector<2000x28xf32>
    %add3A_269 = arith.addf %add3A_264, %mul3A_268 : vector<2000x28xf32>
    %slice3A_270 = vector.extract_strided_slice %mul3A_90 {offsets = [0, 11], sizes = [2000, 1], strides = [1, 1]} : vector<2000x16xf32> to vector<2000x1xf32>
    %slice3A_271 = vector.extract_strided_slice %dot_general3A_212 {offsets = [0, 308], sizes = [2000, 28], strides = [1, 1]} : vector<2000x448xf32> to vector<2000x28xf32>
    %mul3A_272 = vector.broadcast %slice3A_270 : vector<2000x1xf32> to vector<2000x28xf32>
    %mul3A_273 = arith.mulf %mul3A_272, %slice3A_271 : vector<2000x28xf32>
    %add3A_274 = arith.addf %add3A_269, %mul3A_273 : vector<2000x28xf32>
    %slice3A_275 = vector.extract_strided_slice %mul3A_90 {offsets = [0, 12], sizes = [2000, 1], strides = [1, 1]} : vector<2000x16xf32> to vector<2000x1xf32>
    %slice3A_276 = vector.extract_strided_slice %dot_general3A_212 {offsets = [0, 336], sizes = [2000, 28], strides = [1, 1]} : vector<2000x448xf32> to vector<2000x28xf32>
    %mul3A_277 = vector.broadcast %slice3A_275 : vector<2000x1xf32> to vector<2000x28xf32>
    %mul3A_278 = arith.mulf %mul3A_277, %slice3A_276 : vector<2000x28xf32>
    %add3A_279 = arith.addf %add3A_274, %mul3A_278 : vector<2000x28xf32>
    %slice3A_280 = vector.extract_strided_slice %mul3A_90 {offsets = [0, 13], sizes = [2000, 1], strides = [1, 1]} : vector<2000x16xf32> to vector<2000x1xf32>
    %slice3A_281 = vector.extract_strided_slice %dot_general3A_212 {offsets = [0, 364], sizes = [2000, 28], strides = [1, 1]} : vector<2000x448xf32> to vector<2000x28xf32>
    %mul3A_282 = vector.broadcast %slice3A_280 : vector<2000x1xf32> to vector<2000x28xf32>
    %mul3A_283 = arith.mulf %mul3A_282, %slice3A_281 : vector<2000x28xf32>
    %add3A_284 = arith.addf %add3A_279, %mul3A_283 : vector<2000x28xf32>
    %slice3A_285 = vector.extract_strided_slice %mul3A_90 {offsets = [0, 14], sizes = [2000, 1], strides = [1, 1]} : vector<2000x16xf32> to vector<2000x1xf32>
    %slice3A_286 = vector.extract_strided_slice %dot_general3A_212 {offsets = [0, 392], sizes = [2000, 28], strides = [1, 1]} : vector<2000x448xf32> to vector<2000x28xf32>
    %mul3A_287 = vector.broadcast %slice3A_285 : vector<2000x1xf32> to vector<2000x28xf32>
    %mul3A_288 = arith.mulf %mul3A_287, %slice3A_286 : vector<2000x28xf32>
    %add3A_289 = arith.addf %add3A_284, %mul3A_288 : vector<2000x28xf32>
    %slice3A_290 = vector.extract_strided_slice %mul3A_90 {offsets = [0, 15], sizes = [2000, 1], strides = [1, 1]} : vector<2000x16xf32> to vector<2000x1xf32>
    %slice3A_291 = vector.extract_strided_slice %dot_general3A_212 {offsets = [0, 420], sizes = [2000, 28], strides = [1, 1]} : vector<2000x448xf32> to vector<2000x28xf32>
    %mul3A_292 = vector.broadcast %slice3A_290 : vector<2000x1xf32> to vector<2000x28xf32>
    %mul3A_293 = arith.mulf %mul3A_292, %slice3A_291 : vector<2000x28xf32>
    %add3A_294 = arith.addf %add3A_289, %mul3A_293 : vector<2000x28xf32>
    %div3A_295 = arith.constant 11.3137083 : f32
    %div3A_296 = vector.broadcast %div3A_295 : f32 to vector<2000x28xf32>
    %div3A_297 = arith.divf %add3A_294, %div3A_296 : vector<2000x28xf32>
    %slice3A_298 = vector.extract_strided_slice %div3A_297 {offsets = [0, 0], sizes = [2000, 16], strides = [1, 1]} : vector<2000x28xf32> to vector<2000x16xf32>
    %slice3A_299 = vector.extract_strided_slice %div3A_297 {offsets = [0, 16], sizes = [2000, 8], strides = [1, 1]} : vector<2000x28xf32> to vector<2000x8xf32>
    %slice3A_300 = vector.extract_strided_slice %div3A_297 {offsets = [0, 24], sizes = [2000, 4], strides = [1, 1]} : vector<2000x28xf32> to vector<2000x4xf32>
    %get3A_301 = arith.constant 0 : index
    %get3A_302 = arith.constant 0 : index
    %get3A_303 = vector.load %arg10[%get3A_301, %get3A_302] : memref<8x24xf32, #tpu.memory_space<vmem>>, vector<8x24xf32>
    %dot_general3A_304 = arith.constant dense<0.000000e+00> : vector<2000x24xf32>
    %dot_general3A_305 = tpu.matmul %slice3A_299, %get3A_303, %dot_general3A_304 {dimension_numbers = #tpu.dot_dimension_numbers<[1], [0], [0], [1], [0, 0, 1, 1], [], []>, transpose_lhs_hint = false} : vector<2000x8xf32>, vector<8x24xf32>, vector<2000x24xf32> -> vector<2000x24xf32>
    %get3A_306 = arith.constant 0 : index
    %get3A_307 = arith.constant 0 : index
    %get3A_308 = vector.load %arg11[%get3A_306, %get3A_307] : memref<3x24xf32, #tpu.memory_space<vmem>>, vector<3x24xf32>
    %dot_general3A_309 = arith.constant dense<0.000000e+00> : vector<2000x24xf32>
    %dot_general3A_310 = tpu.matmul %mul3A_8, %get3A_308, %dot_general3A_309 {dimension_numbers = #tpu.dot_dimension_numbers<[1], [0], [0], [1], [0, 0, 1, 1], [], []>, transpose_lhs_hint = false} : vector<2000x3xf32>, vector<3x24xf32>, vector<2000x24xf32> -> vector<2000x24xf32>
    %mul3A_311 = arith.mulf %dot_general3A_305, %dot_general3A_310 : vector<2000x24xf32>
    %get3A_312 = arith.constant 0 : index
    %get3A_313 = arith.constant 0 : index
    %get3A_314 = vector.load %arg12[%get3A_312, %get3A_313] : memref<4x20xf32, #tpu.memory_space<vmem>>, vector<4x20xf32>
    %dot_general3A_315 = arith.constant dense<0.000000e+00> : vector<2000x20xf32>
    %dot_general3A_316 = tpu.matmul %slice3A_300, %get3A_314, %dot_general3A_315 {dimension_numbers = #tpu.dot_dimension_numbers<[1], [0], [0], [1], [0, 0, 1, 1], [], []>, transpose_lhs_hint = false} : vector<2000x4xf32>, vector<4x20xf32>, vector<2000x20xf32> -> vector<2000x20xf32>
    %get3A_317 = arith.constant 0 : index
    %get3A_318 = arith.constant 0 : index
    %get3A_319 = vector.load %arg13[%get3A_317, %get3A_318] : memref<5x20xf32, #tpu.memory_space<vmem>>, vector<5x20xf32>
    %dot_general3A_320 = arith.constant dense<0.000000e+00> : vector<2000x20xf32>
    %dot_general3A_321 = tpu.matmul %concatenate3A, %get3A_319, %dot_general3A_320 {dimension_numbers = #tpu.dot_dimension_numbers<[1], [0], [0], [1], [0, 0, 1, 1], [], []>, transpose_lhs_hint = false} : vector<2000x5xf32>, vector<5x20xf32>, vector<2000x20xf32> -> vector<2000x20xf32>
    %mul3A_322 = arith.mulf %dot_general3A_316, %dot_general3A_321 : vector<2000x20xf32>
    %swap3A = arith.constant 0 : index
    %swap3A_323 = arith.constant 0 : index
    %swap3A_324 = vector.load %arg14[%swap3A, %swap3A_323] : memref<2000x1xf32, #tpu.memory_space<vmem>>, vector<2000x1xf32>
    tpu.vector_store %arg14[%swap3A, %swap3A_323], %div3A_207 {strides = array<i32>} : memref<2000x1xf32, #tpu.memory_space<vmem>>, vector<2000x1xf32>,
    %concatenate3A_325 = tpu.concatenate %slice3A_298, %mul3A_311, %mul3A_322 in 1 : vector<2000x16xf32>, vector<2000x24xf32>, vector<2000x20xf32> -> vector<2000x60xf32>
    %swap3A_326 = arith.constant 0 : index
    %swap3A_327 = arith.constant 0 : index
    %swap3A_328 = vector.load %arg15[%swap3A_326, %swap3A_327] : memref<2000x60xf32, #tpu.memory_space<vmem>>, vector<2000x60xf32>
    tpu.vector_store %arg15[%swap3A_326, %swap3A_327], %concatenate3A_325 {strides = array<i32>} : memref<2000x60xf32, #tpu.memory_space<vmem>>, vector<2000x60xf32>,
    return
  }
  func.func @transform_0(%arg0: i32) -> (i32, i32) {
    %c0_i32 = arith.constant 0 : i32
    %c0_i32_0 = arith.constant 0 : i32
    return %arg0, %c0_i32 : i32, i32
  }
  func.func @transform_1(%arg0: i32) -> (i32, i32) {
    %c0_i32 = arith.constant 0 : i32
    %c0_i32_0 = arith.constant 0 : i32
    return %arg0, %c0_i32 : i32, i32
  }
  func.func @transform_2(%arg0: i32) -> (i32, i32) {
    %c0_i32 = arith.constant 0 : i32
    %c0_i32_0 = arith.constant 0 : i32
    return %arg0, %c0_i32 : i32, i32
  }
  func.func @transform_3(%arg0: i32) -> (i32, i32) {
    %c0_i32 = arith.constant 0 : i32
    %c0_i32_0 = arith.constant 0 : i32
    %c0_i32_1 = arith.constant 0 : i32
    return %c0_i32, %c0_i32_0 : i32, i32
  }
  func.func @transform_4(%arg0: i32) -> (i32, i32) {
    %c0_i32 = arith.constant 0 : i32
    %c0_i32_0 = arith.constant 0 : i32
    %c0_i32_1 = arith.constant 0 : i32
    return %c0_i32, %c0_i32_0 : i32, i32
  }
  func.func @transform_5(%arg0: i32) -> (i32, i32) {
    %c0_i32 = arith.constant 0 : i32
    %c0_i32_0 = arith.constant 0 : i32
    %c0_i32_1 = arith.constant 0 : i32
    return %c0_i32, %c0_i32_0 : i32, i32
  }
  func.func @transform_6(%arg0: i32) -> (i32, i32) {
    %c0_i32 = arith.constant 0 : i32
    %c0_i32_0 = arith.constant 0 : i32
    %c0_i32_1 = arith.constant 0 : i32
    return %c0_i32, %c0_i32_0 : i32, i32
  }
  func.func @transform_7(%arg0: i32) -> (i32, i32) {
    %c0_i32 = arith.constant 0 : i32
    %c0_i32_0 = arith.constant 0 : i32
    %c0_i32_1 = arith.constant 0 : i32
    return %c0_i32, %c0_i32_0 : i32, i32
  }
  func.func @transform_8(%arg0: i32) -> (i32, i32) {
    %c0_i32 = arith.constant 0 : i32
    %c0_i32_0 = arith.constant 0 : i32
    %c0_i32_1 = arith.constant 0 : i32
    return %c0_i32, %c0_i32_0 : i32, i32
  }
  func.func @transform_9(%arg0: i32) -> (i32, i32) {
    %c0_i32 = arith.constant 0 : i32
    %c0_i32_0 = arith.constant 0 : i32
    %c0_i32_1 = arith.constant 0 : i32
    return %c0_i32, %c0_i32_0 : i32, i32
  }
  func.func @transform_10(%arg0: i32) -> (i32, i32) {
    %c0_i32 = arith.constant 0 : i32
    %c0_i32_0 = arith.constant 0 : i32
    %c0_i32_1 = arith.constant 0 : i32
    return %c0_i32, %c0_i32_0 : i32, i32
  }
  func.func @transform_11(%arg0: i32) -> (i32, i32) {
    %c0_i32 = arith.constant 0 : i32
    %c0_i32_0 = arith.constant 0 : i32
    %c0_i32_1 = arith.constant 0 : i32
    return %c0_i32, %c0_i32_0 : i32, i32
  }
  func.func @transform_12(%arg0: i32) -> (i32, i32) {
    %c0_i32 = arith.constant 0 : i32
    %c0_i32_0 = arith.constant 0 : i32
    %c0_i32_1 = arith.constant 0 : i32
    return %c0_i32, %c0_i32_0 : i32, i32
  }
  func.func @transform_13(%arg0: i32) -> (i32, i32) {
    %c0_i32 = arith.constant 0 : i32
    %c0_i32_0 = arith.constant 0 : i32
    return %arg0, %c0_i32 : i32, i32
  }
  func.func @transform_14(%arg0: i32) -> (i32, i32) {
    %c0_i32 = arith.constant 0 : i32
    %c0_i32_0 = arith.constant 0 : i32
    return %arg0, %c0_i32 : i32, i32
  }
}

</mosaic_0001>

<sc_bundles>
// kernel: scatter_offload_async_start.1
scs
__scs_entry_jumppad:
0x0: {  	(pc) =	sbr.rel $0x88, $3  }
0x1: {  	(tag) =	ssettag $0x0;
	lr =	simm.s32 $0x1  }
0x2: {  	[smem:$0x3F97] =	sst lr;
	_ =	strace $0xD0000000  }
0x3: {  	_ = 	snop  }
0x4: {  	_ = 	snop  }
0x5: {  	_ = 	snop  }
0x6: {  	_ = 	snop  }
0x7: {  	_ = 	snop  }
__scs_overlays_trampoline_lowered:
0x8: {  	[smem:$0x3FA6] =	sst s0  }
0x9: {  	[smem:$0x3FA7] =	sst s1  }
0xa: {  	[smem:$0x3FA8] =	sst s2  }
0xb: {  	[smem:$0x3FA9] =	sst s3  }
0xc: {  	[smem:$0x3FAA] =	sst s4  }
0xd: {  	[smem:$0x3FAB] =	sst s5  }
0xe: {  	[smem:$0x3FAC] =	sst s6  }
0xf: {  	[smem:$0x3FAD] =	sst s7  }
0x10: {  	[smem:$0x3FAE] =	sst s8  }
0x11: {  	[smem:$0x3FAF] =	sst s9;
	s0 =	simm.s32 @!p0 $0x0  }
0x12: {  	s1 =	sld [smem:$0x3F95];
	s0 =	simm.s32 @p0 $0x1  }
0x13: {  	[smem:$0x3FB0] =	sst s0;
	s0 =	simm.s32 @!p1 $0x0  }
0x14: {  	s2 =	sld [smem:$0x3F94];
	s0 =	simm.s32 @p1 $0x1  }
0x15: {  	[smem:$0x3FB1] =	sst s0;
	s0 =	simm.s32 @!p2 $0x0  }
0x16: {  	s3 =	sld [smem:$0x3FDB];
	s0 =	simm.s32 @p2 $0x1  }
0x17: {  	s4 =	simm.s32 $0x1BF5;
	[smem:$0x3FB3] =	sst s0  }
0x18: {  	s0 =	sld [smem:$0x3F96];
	_ =	swait.ge [sflag:s4], $0x0  }
0x19: {  	s7 =	sld [smem:$0x3F97]  }
0x1a: {  	s8 =	sadd.s32 $0xFFFFE003, lr  }
0x1b: {  	s9 =	sadd.s32 $0xFFFFFEF7, lr;
	s5 =	simm.s32 $0xFFFFFFFF;
	p2 =	slt.u32 s8, $0xFFFFF086  }
0x1c: {  	p1 =	slt.u32 s9, $0xF7A;
	s5 =	simm.s32 @!p2 $0x0  }
0x1d: {  	s5 =	simm.s32 @p1 $0x1;
	p0 =	seq.s32 s7, s2  }
0x1e: {  	s7 =	smul.u32 @!p0 $0xF7A, s2;
	p2 =	seq.s32 @!p0 s5, $0x0  }
0x1f: {  	s9 =	smul.u32 $0xF7A, s1;
	s8 =	simm.s32 @!p0 $0x1BF5;
	p2 =	por !p2, p0  }
0x20: {  	[sflag:s8] =	ssyncset.s32 @!p0 $0xFFFFF086;
	s6 =	sadd.s32 @!p0 s3, s7;
	s7 =	simm.s32 @!p0 $0x108  }
0x21: {  	s3 =	sadd.s32 s3, s9;
	s6 =	sadd.s32 @!p0 $0x88, s6;
	s7 =	simm.s32 @p2 $0x1082  }
0x22: {  	[simem:s7], [sflag:s8] =	dma.local @!p0 [hbm:s6], $0xF7A  }
0x23: {  	s9 =	sor.u32 $0xD0000000, s2;
	s6 =	simm.s32 $0x108;
	_ =	swait.ge @!p0 [sflag:s8], $0x0  }
0x24: {  	s3 =	sadd.s32 $0x88, s3;
	s6 =	simm.s32 @!p1 $0x1082;
	[sflag:s4] =	ssyncset.s32 $0xFFFFF086  }
0x25: {  	[simem:s6], [sflag:s4] =	dma.local [hbm:s3], $0xF7A  }
0x26: {  	[smem:$0x3F97] =	sst s1;
	(tag) =	ssettag s2;
	_ =	strace s9  }
0x27: {  	s1 =	sld [smem:$0x3FA7]  }
0x28: {  	s2 =	sld [smem:$0x3FA8]  }
0x29: {  	s4 =	sld [smem:$0x3FAA]  }
0x2a: {  	p0 =	seq.s32 s5, $0x0;
	s5 =	sld [smem:$0x3FAB]  }
0x2b: {  	s6 =	sld [smem:$0x3FAC]  }
0x2c: {  	s7 =	sld [smem:$0x3FAD]  }
0x2d: {  	s3 =	simm.s32 $0x108;
	s8 =	sld [smem:$0x3FAE]  }
0x2e: {  	s3 =	simm.s32 @!p0 $0x1082;
	s9 =	sld [smem:$0x3FAF]  }
0x2f: {  	lr =	sadd.s32 s0, s3;
	s0 =	sld [smem:$0x3FA6]  }
0x30: {  	s3 =	sld [smem:$0x3FA9]  }
0x31: {  	[smem:$0x3FB2] =	sst s10  }
0x32: {  	s10 =	sld [smem:$0x3FB0];
	_ =	sdelay $0x3  }
0x33: {  	p0 =	seq.s32 s10, $0x1;
	s10 =	sld [smem:$0x3FB2];
	_ =	sdelay $0x3  }
0x34: {  	[smem:$0x3FB2] =	sst s10  }
0x35: {  	s10 =	sld [smem:$0x3FB1];
	_ =	sdelay $0x3  }
0x36: {  	p1 =	seq.s32 s10, $0x1;
	s10 =	sld [smem:$0x3FB2];
	_ =	sdelay $0x3  }
0x37: {  	[smem:$0x3FB2] =	sst s10  }
0x38: {  	s10 =	sld [smem:$0x3FB3]  }
0x39: {  	_ = 	snop;
	(pc) =	sbr.ind lr, $3  }
0x3a: {  	_ = 	snop  }
0x3b: {  	_ = 	snop  }
0x3c: {  	p2 =	seq.s32 s10, $0x1;
	s10 =	sld [smem:$0x3FB2]  }
0x3d: {  	_ =	shalt  }
0x3e: {  	_ =	shalt  }
0x3f: {  	_ =	shalt  }
0x40: {  	_ =	shalt  }
0x41: {  	_ =	shalt  }
0x42: {  	_ =	shalt  }
0x43: {  	_ =	shalt  }
0x44: {  	_ =	shalt  }
0x45: {  	_ =	shalt  }
0x46: {  	_ =	shalt  }
0x47: {  	_ =	shalt  }
0x48: {  	_ =	shalt  }
0x49: {  	_ =	shalt  }
0x4a: {  	_ =	shalt  }
0x4b: {  	_ =	shalt  }
0x4c: {  	_ =	shalt  }
0x4d: {  	_ =	shalt  }
0x4e: {  	_ =	shalt  }
0x4f: {  	_ =	shalt  }
0x50: {  	_ =	shalt  }
0x51: {  	_ =	shalt  }
0x52: {  	_ =	shalt  }
0x53: {  	_ =	shalt  }
0x54: {  	_ =	shalt  }
0x55: {  	_ =	shalt  }
0x56: {  	_ =	shalt  }
0x57: {  	_ =	shalt  }
0x58: {  	_ =	shalt  }
0x59: {  	_ =	shalt  }
0x5a: {  	_ =	shalt  }
0x5b: {  	_ =	shalt  }
0x5c: {  	_ =	shalt  }
0x5d: {  	_ =	shalt  }
0x5e: {  	_ =	shalt  }
0x5f: {  	_ =	shalt  }
0x60: {  	_ =	shalt  }
0x61: {  	_ =	shalt  }
0x62: {  	_ =	shalt  }
0x63: {  	_ =	shalt  }
0x64: {  	_ =	shalt  }
0x65: {  	_ =	shalt  }
0x66: {  	_ =	shalt  }
0x67: {  	_ =	shalt  }
0x68: {  	_ =	shalt  }
0x69: {  	_ =	shalt  }
0x6a: {  	_ =	shalt  }
0x6b: {  	_ =	shalt  }
0x6c: {  	_ =	shalt  }
0x6d: {  	_ =	shalt  }
0x6e: {  	_ =	shalt  }
0x6f: {  	_ =	shalt  }
0x70: {  	_ =	shalt  }
0x71: {  	_ =	shalt  }
0x72: {  	_ =	shalt  }
0x73: {  	_ =	shalt  }
0x74: {  	_ =	shalt  }
0x75: {  	_ =	shalt  }
0x76: {  	_ =	shalt  }
0x77: {  	_ =	shalt  }
0x78: {  	_ =	shalt  }
0x79: {  	_ =	shalt  }
0x7a: {  	_ =	shalt  }
0x7b: {  	_ =	shalt  }
0x7c: {  	_ =	shalt  }
0x7d: {  	_ =	shalt  }
0x7e: {  	_ =	shalt  }
0x7f: {  	_ =	shalt  }
0x80: {  	_ =	shalt  }
0x81: {  	_ =	shalt  }
0x82: {  	_ =	shalt  }
0x83: {  	_ =	shalt  }
0x84: {  	_ =	shalt  }
0x85: {  	_ =	shalt  }
0x86: {  	_ =	shalt  }
0x87: {  	_ =	shalt  }
.Lfunc_end0:
.L_simem_size_0:
called_computation.1_lowered:
.L_overlay_start_0:
0x88: {  	s0 =	sld [smem:$0x3FD9]  }
0x89: {  	s1 =	sld [smem:$0x3FFE];
	_ =	sdelay $0x3  }
0x8a: {  	s0 =	sadd.s32 s1, s0  }
0x8b: {  	[smem:$0x3FBE] =	sst s0  }
0x8c: {  	_ = 	snop  }
0x8d: {  	s0 =	sld [smem:$0x3FD0];
	(tm) =	ssettm $0x1  }
0x8e: {  	s16 =	sld [smem:$0x3FFB];
	_ =	sdelay $0x3  }
0x8f: {  	_ =	strace s16  }
0x90: {  	s1 =	sld [smem:$0x3FFC];
	_ =	sdelay $0x3  }
0x91: {  	_ =	strace s1  }
0x92: {  	s1 =	sld [smem:$0x3FFD];
	_ =	sdelay $0x3  }
0x93: {  	_ =	strace s1  }
0x94: {  	_ =	strace $0x8FFFFFFF  }
0x95: {  	s17 =	sld [smem:$0x3FDB];
	_ =	sdelay $0x1  }
0x96: {  	s2 =	simm.s32 $_scs_section_size  }
0x97: {  	s3 =	simm.s32 $_size__tile_overlayer_lowered;
	s4 =	simm.s32 $_tile_overlayer_lowered  }
0x98: {  	s20 =	simm.s32 $0x1BFF;
	s19 =	sshll.u32 s4, $0x1;
	s1 =	sadd.s32 s2, s17  }
0x99: {  	s5 =	simm.s32 $0x0;
	s18 =	sshll.u32 s3, $0x1;
	s3 =	sadd.s32 s19, s1  }
0x9a: {  	[timem:s5], [sflag:s20] =	dma.local [hbm:s3], s18  }
0x9b: {  	_ =	swait.ge [sflag:s20], s18  }
0x9c: {  	s2 =	ssub.s32 $0x0, s18;
	[sflag:s20] =	ssyncset.done $0x0  }
0x9d: {  	[sflag:s20] =	ssyncadd.s32 s2;
	_ =	sdelay $0x1  }
0x9e: {  	s21 =	simm.s32 $0x1B8B  }
0x9f: {  	_ =	swait.ge [sflag:s21], $0x1  }
0xa0: {  	[sflag:s21] =	ssyncset.done $0x0  }
0xa1: {  	s23 =	simm.s32 $0x1B8E;
	s22 =	sld [smem:$0x3FFE];
	[sflag:s21] =	ssyncadd.s32 $0xFFFFFFFF  }
0xa2: {  	s24 =	simm.s32 $execute0_lowered;
	[smem:$0x3FD2] =	sst s23  }
0xa3: {  	s3 =	sshll.u32 s24, $0x1;
	_ =	strace $0x80000049;
	[dreg:$0x1] =	wrdreg $0xFFFFFFFF  }
0xa4: {  	s25 =	simm.s32 $_size_execute0_lowered;
	s1 =	sadd.s32 s1, s3;
	[dreg:$0x0] =	wrdreg $0x0  }
0xa5: {  	s3 =	sshll.u32 s25, $0x1;
	[dreg:$0x2] =	wrdreg s1  }
0xa6: {  	[dreg:$0x3] =	wrdreg s3  }
0xa7: {  	[dreg:$0x4] =	wrdreg $0xC0  }
0xa8: {  	_ =	task [dreg:s5], $0x5FFFF  }
0xa9: {  	[dreg:$0x1] =	wrdreg $0xFFFFFFFF  }
0xaa: {  	[dreg:$0x0] =	wrdreg $0x60  }
0xab: {  	[dreg:$0x2] =	wrdreg s22  }
0xac: {  	[dreg:$0x3] =	wrdreg s0  }
0xad: {  	[dreg:$0x4] =	wrdreg $0x9  }
0xae: {  	_ =	task.clear_ibuf [dreg:s5], $0x5FFFF;
	_ =	strace $0x90000049  }
0xaf: {  	s26 =	simm.s32 $0x9;
	_ =	strace $0x8000004B  }
0xb0: {  	_ =	swait.ge [sflag:s26], $0x1  }
0xb1: {  	[sflag:s26] =	ssyncadd.s32 $0xFFFFFFFF  }
0xb2: {  	_ =	strace $0x9000004B  }
0xb3: {  	_ =	sfence  }
0xb4: {  	s28 =	sld [smem:$0x0];
	_ =	sdelay $0x1  }
0xb5: {  	s29 =	srdreg.scid  }
0xb6: {  	s30 =	sshll.u32 s29, $0xD;
	s31 =	sshrl.u32 s29, $0x2  }
0xb7: {  	s2 =	sand.u32 $0x4000, s30;
	s1 =	sand.u32 $0x1, s29;
	s0 =	sadd.s32 s31, s28  }
0xb8: {  	s1 =	sor.u32 s2, s1;
	s0 =	sshll.u32 s0, $0x11  }
0xb9: {  	s0 =	sor.u32 s0, s1  }
0xba: {  	s0 =	sadd.s32 $0x8F2B, s0  }
0xbb: {  	[sflag:s0] =	ssyncadd.remote.s32 $0x1  }
0xbc: {  	_ =	sfence.sel $0xFFFF  }
0xbd: {  	[dreg:$0x0] =	wrdreg $0xFFFFFFFF;
	(pc) =	sbr.abs _section_cstart, $3  }
0xbe: {  	[dreg:$0x1] =	wrdreg $0xFFFFFFFF  }
0xbf: {  	_ =	task.clear_ibuf [dreg:s5], $0x2FFFF;
	_ =	strace $0x9FFFFFFF  }
0xc0: {  	(tm) =	ssettm $0x7FFFFFFF  }
0xc1: {  	_ =	shalt  }
tec
execute0_lowered:
.L_overlay_start_1:
0x0: {  	(tag) =	ssettag $0x1  }
0x1: {  	s0 =	rddreg [dreg:$0x0]  }
0x2: {  	s3 =	rddreg [dreg:$0x1];
	s14 =	stileid.u32  }
0x3: {  	_ =	strace $0x8000004A;
	s2 =	simm.s32 $0x1;
	s1 =	smin.u32 s14, $0x4  }
0x4: {  	v1 =	vimm.s32 $0xFFFFFFFF;
	[sflag:s2] =	ssyncpa.u1 $0x0;
	s1 =	sadd.s32 s14, s1  }
0x5: {  	p0 =	slt.u32 s14, $0x4;
	[tilespmem:$0x10] =	vst v1;
	s4 =	smul.u32 $0x1F40, s1;
	s1 =	simm.s32 $0x3E80  }
0x6: {  	v0 =	vimm.f32 $0.0e+00;
	[tilespmem:$0x20] =	vst v1;
	s1 =	simm.s32 @!p0 $0x1F40  }
0x7: {  	[tilespmem:$0x30] =	vst v0;
	s1 =	sadd.s32 s1, s4  }
0x8: {  	[tilespmem:$0x40] =	vst v0;
	s5 =	smin.u32 s1, $0x27100  }
0x9: {  	[tilespmem:$0x50] =	vst v0;
	s9 =	ssub.s32 s5, s4  }
0xa: {  	s7 =	simm.s32 $0x2;
	[tilespmem:$0x60] =	vst v1;
	p0 =	sgt.s32 s9, $0x0  }
0xb: {  	s8 =	simm.s32 $0x8;
	s31 =	simm.s32 $0x9;
	[tilespmem:$0x70] =	vst v1;
	s9 =	simm.s32 @!p0 $0x0  }
0xc: {  	s16 =	simm.s32 $0x0;
	s17 =	simm.s32 $0xF0;
	[tilespmem:$0x80] =	vst v1;
	s30 =	smulhi.u32 $0x10624DD3, s9  }
0xd: {  	s18 =	simm.s32 $0xFFFFFFFF;
	s19 =	simm.s32 $0xFFFFC280;
	s20 =	simm.s32 $0xFFFFFFFE;
	v1 =	vimm.s32 $0x0;
	[tilespmem:$0xB0] =	vst v0  }
0xe: {  	s21 =	simm.s32 $0xF;
	s25 =	simm.s32 $0x0;
	[tilespmem:$0x90] =	vst v1;
	s10 =	sshrl.u32 s30, $0x9  }
0xf: {  	[tilespmem:$0xA0] =	vst v1;
	[sflag:s7] =	ssyncpa.u1 $0x0;
	s7 =	simm.s32 $0x7;
	s11 =	smul.u32 $0x1F40, s10  }
0x10: {  	s24 =	simm.s32 $0x0;
	s6 =	sadd.s32 $0x27E600, s0;
	[sflag:s7] =	ssyncpa.u1 $0x0  }
.Ltmp0:
0x11: {  	[sflag:s8] =	ssyncpa.u1 $0x0;
	p0 =	sne.s32 s9, s11;
	(pc) =	sbr.rel .LBB2_1-.Ltmp0, $4  }
0x12: {  	s23 =	smov.u32 s4;
	s1 =	sadd.s32 $0xE00, s0;
	s2 =	simm.s32 @!p0 $0x0  }
0x13: {  	[sflag:s31] =	ssyncpa.u1 $0x0;
	p0 =	por $0x0, $0x0;
	s9 =	sadd.s32 s2, s10  }
0x14: {  	vm0 =	vmmov $0xffff;
	v2 =	vlaneseq.u32;
	s10 =	sshll.u32 s14, $0x1;
	s14 =	sshllo.u32 s14, $0x1;
	s11 =	sadd.s32 $0x1, s9  }
0x15: {  	vm1 =	vmxor vm1, vm1;
	vm2 =	vmmov $0x1;
	vm3 =	vcmask $0x3F3C;
	s12 =	sadd.s32 $0x2, s9;
	s13 =	sor.u32 $0x81, s10;
	s15 =	sor.u32 $0x80, s10  }
.LBB2_9:
0x16: {  	p1 =	slt.u32 s24, $0x3  }
0x17: {  	s0 =	simm.s32 @!p1 $0x2  }
0x18: {  	_ =	swait.ge @!p1 [sflag:s0], $0x1F40  }
0x19: {  	[sflag:s0] =	ssyncset.done @!p1 $0x0  }
0x1a: {  	[sflag:s0] =	ssyncadd.s32 @!p1 $0xFFFFE0C0;
	s0 =	simm.s32 @!p1 $0x9  }
0x1b: {  	_ =	swait.ge @!p1 [sflag:s0], $0x10  }
0x1c: {  	[sflag:s0] =	ssyncset.done @!p1 $0x0  }
0x1d: {  	[sflag:s0] =	ssyncadd.s32 @!p1 $0xFFFFFFF0;
	p1 =	sne.s32 s24, s12  }
.Ltmp1:
0x1e: {  	s2 =	sadd.s32 $0x1F40, s23;
	(pc) =	sbr.rel @!p1 .LBB2_10-.Ltmp1, $4  }
0x1f: {  	s22 =	smov.u32 s4;
	s31 =	sadd.s32 $0x1, s24;
	s17 =	sadd.s32 $0x1F40, s17  }
0x20: {  	s18 =	sadd.s32 $0x1, s18;
	s25 =	smov.u32 s23;
	p2 =	slt.s32 s2, s5  }
0x21: {  	p0 =	por !p0, !p0;
	s19 =	sadd.s32 $0x1F40, s19;
	s22 =	smov.u32 @p2 s2  }
0x22: {  	s20 =	sadd.s32 $0x1, s20;
	s23 =	smov.u32 s22;
	s24 =	smov.u32 s31  }
.LBB2_1:
0x23: {  	p1 =	sge.u32 s24, s9  }
0x24: {  	s0 =	smulhi.u32 @!p1 $0xAAAAAAAB, s24;
	_ =	sdelay $0x1  }
0x25: {  	s0 =	sshrl.u32 @!p1 s0, $0x1  }
0x26: {  	s0 =	smul.u32 @!p1 $0x3, s0;
	_ =	sdelay $0x1  }
0x27: {  	s0 =	ssub.s32 @!p1 s24, s0  }
0x28: {  	s0 =	smul.u32 @!p1 $0x7D00, s0;
	_ =	sdelay $0x1  }
0x29: {  	s2 =	sshrl.u32 @!p1 s23, $0x3;
	s0 =	sshrl.u32 @!p1 s0, $0x2  }
0x2a: {  	s22 =	sand.u32 @!p1 $0x7, s23;
	s2 =	sadd.s32 @!p1 s3, s2;
	s0 =	sadd.s32 @!p1 $0x100, s0  }
0x2b: {  	[tilespmem:s0], [sflag:$0x7] =	stream.linear.gather @!p1 [hbm4b:s2+s22], $0x1F40, $0x38;
	[tilespmem:$0x11A60] =	vst v63  }
0x2c: {  	s0 =	sadd.s32 $0xFFFFFFFF, s24  }
0x2d: {  	p1 =	sge.u32 s0, s9  }
.Ltmp2:
0x2e: {  	_ = 	snop;
	(pc) =	sbr.rel @p1 .LBB2_5-.Ltmp2, $1  }
0x2f: {  	_ =	sdelay $0x3  }
0x30: {  	s2 =	smulhi.u32 $0xAAAAAAAB, s0;
	_ =	sdelay $0x1  }
0x31: {  	s2 =	sshrl.u32 s2, $0x1  }
0x32: {  	s2 =	smul.u32 $0x3, s2;
	_ =	sdelay $0x1  }
0x33: {  	s2 =	ssub.s32 s0, s2  }
0x34: {  	s2 =	smul.u32 $0x7D00, s2  }
0x35: {  	_ =	swait.ge [sflag:s7], $0x1F40  }
0x36: {  	[sflag:s7] =	ssyncset.done $0x0;
	s2 =	sshrl.u32 s2, $0x2  }
0x37: {  	[sflag:s7] =	ssyncadd.s32 $0xFFFFE0C0;
	(ifvalue) =	ssetifvalue $0xFFFFFFFF;
	v3 =	vld.msk [tilespmem:s2+$0x100 ss:$0x1], $0xffff;
	_ =	sdelay $0x2  }
0x38: {  	s30 =	smulhi.u32 $0xAAAAAAAB, s18;
	p1 =	sne.s32 s24, $0x1  }
0x39: {  	v4 =	vimm.s32 @!p1 $0x0  }
0x3a: {  	s2 =	sshrl.u32 s30, $0x1;
	v4 =	vperm.xlane @!p1 v3, v4  }
0x3b: {  	s22 =	sshll.u32 s24, $0x4;
	s2 =	smul.u32 $0xFFFE8900, s2;
	vm4 =	vlt.u32 v3, $0x2800  }
0x3c: {  	s22 =	sand.u32 $0x10, s22;
	v3 =	vnsel vm4, $0xFFFFFFFE, v3;
	vm4 =	vlt.u32 @!p1 v4, $0x2800  }
0x3d: {  	s2 =	sshra.s32 s2, $0x2;
	[tilespmem:s22+$0x60] =	vst v3;
	v3 =	vnsel @!p1 vm4, $0xFFFFFFFE, v4  }
0x3e: {  	s28 =	sadd.s32 s2, s17;
	[tilespmem:$0x80] =	vst @!p1 v3  }
0x3f: {  	v3 =	vld.msk [tilespmem:s28+$0x0 ss:$0x1], $0xffff;
	_ =	sdelay $0x4  }
0x40: {  	(xrf1) =	vunique.msk.u32 $0xffff, v3;
	_ =	sdelay $0xd  }
0x41: {  	v4 =	vimm.s32 $0xFFFFFFFF;
	v5, _, _ =	vpop (xrf1)  }
0x42: {  	vm5 =	vne.s32 v3, v4;
	vm4 =	veq.s32 v5, v2  }
0x43: {  	vm6 =	vlt.u32 v3, $0x2800;
	vm4 =	vmand vm5, vm4  }
0x44: {  	vm4 =	vmand vm6, vm4  }
0x45: {  	v4 =	vnsel vm4, $0xFFFFFFFF, v3  }
0x46: {  	s31 =	sand.u32 $0x1, s0  }
0x47: {  	s0 =	simm.s32 $0x1F40;
	p1 =	seq.s32 s31, $0x1  }
0x48: {  	s0 =	simm.s32 @!p1 $0x0  }
0x49: {  	s26 =	sadd.s32 $0x7DF0, s0;
	(ifvalue) =	ssetifvalue $0xFFFFFFFF  }
0x4a: {  	v3 =	vperm.xlane v3, v1;
	[tilespmem:s26], [sflag:$0x8] =	stream.indirect_vreg.gather [hbm4b:s1+s16], $0x1, v4, vm0, $0x4038;
	v4 =	vnsel vm6, $0xFFFFFFFE, v4;
	[tilespmem:$0x11A60] =	vst v63  }
0x4b: {  	s2 =	simm.s32 $0x0;
	s22 =	sadd.s32 $0xFFFFFFF0, s28;
	[tilespmem:s28+$0x0] =	vst v4  }
.LBB2_3:
0x4c: {  	v4 =	vld.msk [tilespmem:s22+$0x0 ss:$0x1], $0xffff;
	s2 =	sadd.s32 $0x10, s2;
	v5 =	vmov v3;
	s28 =	smov.u32 s22  }
0x4d: {  	p1 =	slt.u32 s2, $0x1F30;
	_ =	sdelay $0x4  }
0x4e: {  	v3 =	vperm.xlane v4, v1;
	(xrf1) =	vunique.msk.u32 $0xffff, v4;
	_ =	sdelay $0xd  }
0x4f: {  	v6, _, _ =	vpop (xrf1)  }
0x50: {  	vm5 =	vne.s32 v4, v5;
	vm4 =	veq.s32 v6, v2  }
0x51: {  	vm6 =	vlt.u32 v4, $0x2800;
	vm4 =	vmand vm5, vm4  }
0x52: {  	vm4 =	vmand vm6, vm4  }
0x53: {  	v4 =	vnsel vm4, $0xFFFFFFFF, v4  }
.Ltmp3:
0x54: {  	v5 =	vnsel vm6, $0xFFFFFFFE, v4;
	(pc) =	sbr.rel @p1 .LBB2_3-.Ltmp3, $3  }
0x55: {  	_ =	sdelay $0x1  }
0x56: {  	s22 =	sadd.s32 $0xFFFFFFF0, s22;
	s26 =	sadd.s32 $0xFFFFFFF0, s26;
	(ifvalue) =	ssetifvalue $0xFFFFFFFF  }
0x57: {  	[tilespmem:s26], [sflag:$0x8] =	stream.indirect_vreg.gather [hbm4b:s1+s16], $0x1, v4, vm0, $0x4038;
	[tilespmem:s28+$0x0] =	vst v5  }
0x58: {  	s2 =	sshrl.u32 s25, $0x3  }
0x59: {  	s0 =	sadd.s32 $0x9D40, s0;
	s2 =	sadd.s32 s6, s2  }
0x5a: {  	[tilespmem:s0], [sflag:$0x8] =	stream.linear.gather [hbm:s2], $0x1F40, $0x38;
	[tilespmem:$0x11A60] =	vst v63  }
.LBB2_5:
0x5b: {  	p1 =	slt.u32 s24, $0x2  }
0x5c: {  	p2 =	sge.u32 @!p1 s24, s12  }
0x5d: {  	p1 =	por p1, p2  }
.Ltmp4:
0x5e: {  	_ = 	snop;
	(pc) =	sbr.rel @p1 .LBB2_9-.Ltmp4, $1  }
0x5f: {  	_ =	sdelay $0x3  }
0x60: {  	s0 =	sadd.s32 $0xFFFFFFFE, s24  }
0x61: {  	s2 =	smulhi.u32 $0xAAAAAAAB, s0;
	_ =	sdelay $0x1  }
0x62: {  	s2 =	sshrl.u32 s2, $0x1  }
0x63: {  	s2 =	smul.u32 $0x3, s2;
	_ =	sdelay $0x1  }
0x64: {  	s0 =	ssub.s32 s0, s2  }
0x65: {  	_ =	swait.ge [sflag:s8], $0x3E80;
	s0 =	smul.u32 $0x1F40, s0  }
0x66: {  	p1 =	sne.s32 s24, s11;
	[sflag:s8] =	ssyncset.done $0x0  }
0x67: {  	[sflag:s8] =	ssyncadd.s32 $0xFFFFC180;
	s2 =	sadd.s32 @!p1 $0x203F, s0  }
0x68: {  	[spmem:s13] =	stream.linear.scatter @!p1 [tilespmem:s2], [sflag:$0x1], $0x1, $0x38;
	[tilespmem:$0x11A60] =	vst v63  }
0x69: {  	s2 =	simm.s32 @!p1 $0x1  }
0x6a: {  	_ =	swait.ge @!p1 [sflag:s2], $0x1  }
0x6b: {  	s22 =	sshll.u32 s24, $0x4;
	[sflag:s2] =	ssyncset.done @!p1 $0x0  }
0x6c: {  	s25 =	sand.u32 $0x10, s22;
	[sflag:s2] =	ssyncadd.s32 @!p1 $0xFFFFFFFF  }
0x6d: {  	s2 =	sxor.u32 $0x10, s25;
	v4 =	vld [tilespmem:s25+$0x10]  }
0x6e: {  	v5 =	vld [tilespmem:s2+$0x60]  }
0x6f: {  	v3 =	vld [tilespmem:$0x80];
	_ =	sdelay $0x2  }
0x70: {  	(v2sf) =	vpush v4, $0x0  }
0x71: {  	(v2sf) =	vpush v5, $0x0  }
0x72: {  	(v2sf) =	vpush v3, $0x0;
	_ =	sdelay $0xc  }
0x73: {  	s22 =	spop (v2sf)  }
0x74: {  	s26 =	spop (v2sf)  }
0x75: {  	s28 =	spop (v2sf)  }
0x76: {  	p2 =	seq.s32 s22, s26;
	p3 =	seq.s32 s28, s22  }
0x77: {  	p3 =	por p2, p3  }
0x78: {  	s26 =	sand.u32 $0x1, s24;
	v4 =	vpsel p3, $0xFFFFFFFF, v4  }
0x79: {  	s29 =	smul.u32 $0x1F40, s26;
	[tilespmem:s25+$0x10] =	vst.msk $0x1, v4  }
0x7a: {  	v4 =	vld [tilespmem:$0x30]  }
0x7b: {  	v5 =	vld [tilespmem:s29+$0x9D40]  }
0x7c: {  	v6 =	vld [tilespmem:s25+$0x40];
	_ =	sdelay $0x3  }
0x7d: {  	vm4 =	vmmov vm1;
	v5 =	vadd.f32 v5, v4  }
0x7e: {  	vm5 =	vmmov vm2;
	vm4 =	vmmov @p2 vm2;
	s22 =	sshll.u32 s26, $0x4;
	v4 =	vadd.f32 v6, v4  }
0x7f: {  	s26 =	sor.u32 $0x11A40, s22;
	vm5 =	vmmov @p3 vm1;
	[tilespmem:s29+$0x9D40] =	vst.msk vm4, v5  }
0x80: {  	[tilespmem:s26+$0x0] =	vst.msk vm5, v4  }
0x81: {  	v4 =	vld [tilespmem:s29+$0x7DF0];
	_ =	sdelay $0x3  }
0x82: {  	v5 =	vimm.f32 $0.0e+00  }
0x83: {  	v4 =	vshift.insert v4, v5, s21  }
0x84: {  	s22 =	sor.u32 $0x40, s2  }
0x85: {  	[tilespmem:s22+$0x0] =	vst.msk $0x1, v4  }
0x86: {  	[tilespmem:s29+$0x7DFF] =	vst.msk $0x1, v5  }
0x87: {  	v4 =	vld [tilespmem:s0+$0x2030];
	_ =	sdelay $0x1  }
0x88: {  	s22 =	smulhi.u32 $0xAAAAAAAB, s20;
	s0 =	simm.s32 $0x1  }
0x89: {  	s0 =	simm.s32 @!p0 $0x0  }
0x8a: {  	s22 =	sshrl.u32 s22, $0x1;
	s0 =	smul.u32 $0x7D00, s0  }
0x8b: {  	s22 =	smul.u32 $0xFFFE8900, s22;
	v4 =	vshift.insert v4, v1, s21  }
0x8c: {  	s0 =	sshrl.u32 s0, $0x2  }
0x8d: {  	s22 =	sshra.s32 s22, $0x2;
	s30 =	sadd.s32 $0x9D40, s0;
	[tilespmem:s2+$0x10] =	vst.msk $0x1, v4  }
0x8e: {  	s22 =	sadd.s32 s22, s19;
	v6 =	vld [tilespmem:s30+$0x0]  }
0x8f: {  	v7 =	vld [tilespmem:s22+$0x0];
	_ =	sdelay $0x3  }
0x90: {  	v5 =	vadd.f32 v6, v5  }
0x91: {  	vm4 =	vne.s32 v7, $0xFFFFFFFF  }
0x92: {  	(xrf2) =	vadd.seg.scan.f32 vm4, v5;
	_ =	sdelay $0x3  }
0x93: {  	s31 =	sadd.s32 $0x5EC0, s0;
	v5 =	vperm.xlane v4, v1  }
0x94: {  	v6 =	vld [tilespmem:s31+$0x0]  }
0x95: {  	vm5 =	veq.s32 v7, v3;
	vm6 =	veq.s32 v7, v5  }
0x96: {  	vm7 =	vgt.u32 v7, $0xFFFFFFFD;
	vm6 =	vmor vm6, vm5  }
0x97: {  	vm6 =	vmor vm6, vm7  }
0x98: {  	v9 =	vld [tilespmem:$0xA0];
	v7 =	vsel vm6, $0xFFFFFFFF, v7  }
0x99: {  	v10 =	vld [tilespmem:$0x90];
	v6 =	vsel vm5, $0x0, v6;
	v8, _, _ =	vpop (xrf2)  }
0x9a: {  	v6 =	vadd.f32 v8, v6  }
0x9b: {  	s0 =	sadd.s32 $0xDBC0, s0  }
0x9c: {  	vm4 =	vmand vm4, vm3;
	[tilespmem:s0+$0x0] =	vst v6;
	(ifvalue) =	ssetifvalue $0xFFFFFFFF  }
0x9d: {  	vm6 =	veq.s32 v9, $0x1;
	[hbm4b:s1+s16] =	stream.indirect_vreg.scatter [tilespmem:s0], [sflag:$0x2], $0x1, v7, vm0, $0x4038;
	v7 =	vsel vm4, $0x0, v8;
	[tilespmem:$0x11A60] =	vst v63  }
0x9e: {  	s2 =	simm.s32 $0x0;
	s22 =	sadd.s32 $0x10, s22;
	vm4 =	vmor vm6, vm5;
	v6 =	vsel vm5, v8, v10;
	v7 =	vshift.insert v7, v0, s21  }
.LBB2_7:
0x9f: {  	v8 =	vld [tilespmem:s22+$0x0];
	s30 =	sadd.s32 $0x10, s30  }
0xa0: {  	s31 =	sadd.s32 $0x10, s31;
	v9 =	vld [tilespmem:s30+$0x0]  }
0xa1: {  	s2 =	sadd.s32 $0x10, s2;
	v10 =	vld [tilespmem:s31+$0x0]  }
0xa2: {  	p2 =	slt.u32 s2, $0x1F30;
	_ =	sdelay $0x2  }
0xa3: {  	v7 =	vadd.f32 v9, v7  }
0xa4: {  	vm5 =	vne.s32 v8, $0xFFFFFFFF  }
0xa5: {  	vm6 =	vmand vm5, vm3;
	(xrf2) =	vadd.seg.scan.f32 vm5, v7;
	_ =	sdelay $0x5  }
0xa6: {  	vm7 =	veq.s32 v8, v5;
	vm5 =	veq.s32 v8, v3  }
0xa7: {  	vm8 =	vgt.u32 v8, $0xFFFFFFFD;
	vm4 =	vmor vm4, vm5;
	vm7 =	vmor vm7, vm5  }
0xa8: {  	vm7 =	vmor vm7, vm8  }
0xa9: {  	v8 =	vsel vm7, $0xFFFFFFFF, v8  }
.Ltmp5:
0xaa: {  	v7 =	vsel vm5, $0x0, v10;
	v9, _, _ =	vpop (xrf2);
	(pc) =	sbr.rel @p2 .LBB2_7-.Ltmp5, $4  }
0xab: {  	v6 =	vsel vm5, v9, v6;
	v10 =	vadd.f32 v9, v7;
	v7 =	vsel vm6, $0x0, v9  }
0xac: {  	s0 =	sadd.s32 $0x10, s0;
	v7 =	vshift.insert v7, v0, s21  }
0xad: {  	s22 =	sadd.s32 $0x10, s22;
	[tilespmem:s0+$0x0] =	vst v10;
	(ifvalue) =	ssetifvalue $0xFFFFFFFF  }
0xae: {  	[hbm4b:s1+s16] =	stream.indirect_vreg.scatter [tilespmem:s0], [sflag:$0x2], $0x1, v8, vm0, $0x4038;
	[tilespmem:$0x11A60] =	vst v63  }
0xaf: {  	v3 =	vld [tilespmem:s29+$0xFAF0];
	_ =	sdelay $0x4  }
0xb0: {  	v3 =	vshift.insert v3, v0, s21  }
0xb1: {  	s0 =	simm.s32 $0x30  }
0xb2: {  	[tilespmem:s0+$0x0] =	vst.msk $0x1, v3  }
0xb3: {  	v3 =	vsel vm4, $0x1, v1;
	[tilespmem:$0x90] =	vst v6  }
0xb4: {  	s0 =	sadd.s32 @!p1 $0xFAFF, s29;
	[tilespmem:$0xA0] =	vst v3  }
0xb5: {  	[spmem:s14] =	stream.linear.scatter @!p1 [tilespmem:s0], [sflag:$0x1], $0x1, $0x38;
	[tilespmem:$0x11A60] =	vst v63  }
0xb6: {  	s0 =	simm.s32 @!p1 $0x1  }
0xb7: {  	v3 =	vmctz.xlane @!p1 vm4;
	_ =	swait.ge @!p1 [sflag:s0], $0x1  }
0xb8: {  	(v2sf) =	vpush @!p1 v4, $0x0  }
0xb9: {  	(v2sf) =	vpush @!p1 v3, $0x0;
	_ =	sdelay $0xd  }
0xba: {  	s2 =	spop @!p1 (v2sf)  }
0xbb: {  	s22 =	spop @!p1 (v2sf)  }
0xbc: {  	p2 =	sne.s32 @!p1 s28, s2;
	p3 =	slt.s32 @!p1 s22, $0xF  }
0xbd: {  	[sflag:s0] =	ssyncset.done @!p1 $0x0;
	p2 =	por p2, p1;
	p3 =	por !p3, p1  }
0xbe: {  	[sflag:s0] =	ssyncadd.s32 @!p1 $0xFFFFFFFF;
	v3 =	vimm.s32 @!p2 $0xFFFFFFFF;
	s22 =	simm.s32 @p3 $0xF  }
0xbf: {  	[tilespmem:$0x80] =	vst @!p2 v3;
	s2 =	sadd.s32 @!p1 $0x90, s22  }
0xc0: {  	[spmem:s10] =	stream.linear.scatter @!p1 [tilespmem:s2], [sflag:$0x1], $0x1, $0x38;
	[tilespmem:$0x11A60] =	vst v63  }
0xc1: {  	_ =	swait.ge @!p1 [sflag:s0], $0x1  }
0xc2: {  	[sflag:s0] =	ssyncset.done @!p1 $0x0  }
0xc3: {  	s2 =	simm.s32 @!p1 $0x80;
	[sflag:s0] =	ssyncadd.s32 @!p1 $0xFFFFFFFF  }
0xc4: {  	[spmem:s15] =	stream.linear.scatter @!p1 [tilespmem:s2], [sflag:$0x1], $0x1, $0x38;
	[tilespmem:$0x11A60] =	vst v63  }
0xc5: {  	_ =	swait.ge @!p1 [sflag:s0], $0x1  }
0xc6: {  	[sflag:s0] =	ssyncset.done @!p1 $0x0  }
0xc7: {  	[sflag:s0] =	ssyncadd.s32 @!p1 $0xFFFFFFFF;
	(ifvalue) =	ssetifvalue $0xFFFFFFFF;
	v3 =	vld [tilespmem:s25+$0x10];
	_ =	sdelay $0x3  }
.Ltmp6:
0xc8: {  	_ = 	snop;
	(pc) =	sbr.rel .LBB2_9-.Ltmp6, $3  }
0xc9: {  	_ =	sdelay $0x1  }
0xca: {  	(ifvalue) =	ssetifvalue $0xFFFFFFFF  }
0xcb: {  	[hbm4b:s1+s16] =	stream.indirect_vreg.scatter [tilespmem:s26], [sflag:$0x9], $0x1, v3, vm0, $0x4038;
	[tilespmem:$0x11A60] =	vst v63  }
.LBB2_10:
0xcc: {  	_ =	sfence.sel $0x180000  }
0xcd: {  	s0 =	simm.s32 $0x7;
	[bflag:$0x0] =	sbarrier.arrive $0xFFFF  }
0xce: {  	s26 =	simm.s32 $0x8;
	[sflag:s0] =	ssyncpa.u1 $0x1  }
0xcf: {  	s28 =	simm.s32 $0x9;
	[sflag:s26] =	ssyncpa.u1 $0x1  }
0xd0: {  	[sflag:s28] =	ssyncpa.u1 $0x1  }
0xd1: {  	_ =	sfence.stream.spmem  }
0xd2: {  	s29 =	simm.s32 $0x3;
	[bflag:$0x0] =	sbarrier.arrive $0xFFFF  }
0xd3: {  	s30 =	simm.s32 $0x4;
	[sflag:s29] =	ssyncpa.u1 $0x1  }
0xd4: {  	s31 =	simm.s32 $0x3C;
	s2 =	stileid.u32;
	[sflag:s30] =	ssyncpa.u1 $0x1  }
0xd5: {  	p0 =	sne.s32 s2, $0x0;
	[sflag:s31] =	ssyncpa.u1 $0x1  }
0xd6: {  	s0 =	simm.s32 @p0 $0x1;
	_ =	sfence @p0  }
0xd7: {  	[sflag:s0] =	ssyncpa.u1 @p0 $0x1;
	s0 =	simm.s32 @p0 $0x2  }
0xd8: {  	[sflag:s0] =	ssyncpa.u1 @p0 $0x1  }
0xd9: {  	_ =	strace @p0 $0x9000004A  }
0xda: {  	[bflag:$0x2] =	sbarrier.arrive @p0 $0xFFFF  }
0xdb: {  	_ =	shalt @p0  }
.LBB2_11:
0xdc: {  	_ =	sfence.stream.spmem;
	s0 =	simm.s32 $0x5  }
0xdd: {  	s2 =	simm.s32 $0x80;
	s3 =	simm.s32 $0xC0;
	[sflag:s0] =	ssyncpa.u1 $0x0  }
0xde: {  	[tilespmem:s3], [sflag:$0x5] =	stream.linear.gather [spmem:s2], $0x20, $0x38;
	[tilespmem:$0x11A60] =	vst v63  }
0xdf: {  	s2 =	simm.s32 $0x0;
	s3 =	simm.s32 $0xE0  }
0xe0: {  	[tilespmem:s3], [sflag:$0x5] =	stream.linear.gather [spmem:s2], $0x20, $0x38;
	[tilespmem:$0x11A60] =	vst v63  }
.Ltmp7:
0xe1: {  	_ = 	snop;
	(pc) =	sbr.rel .LBB2_12-.Ltmp7, $4  }
0xe2: {  	_ =	swait.ge [sflag:s0], $0x40  }
0xe3: {  	[sflag:s0] =	ssyncset.done $0x0  }
0xe4: {  	s31 =	simm.s32 $0x6;
	[sflag:s0] =	ssyncadd.s32 $0xFFFFFFC0  }
0xe5: {  	s4 =	simm.s32 $0x0;
	[sflag:s31] =	ssyncpa.u1 $0x0  }
.LBB2_17:
0xe6: {  	p0 =	sgt.u32 s5, $0x27FF  }
0xe7: {  	s0 =	sshrl.u32 @!p0 s5, $0x3  }
0xe8: {  	s5 =	sand.u32 @!p0 $0x7, s5;
	s6 =	simm.s32 @!p0 $0xB0;
	s0 =	sadd.s32 @!p0 s1, s0  }
0xe9: {  	[tilespmem:s6], [sflag:$0x6] =	stream.linear.gather @!p0 [hbm4b:s0+s5], $0x1, $0x38;
	[tilespmem:$0x11A60] =	vst v63  }
0xea: {  	s0 =	simm.s32 @!p0 $0x6  }
0xeb: {  	_ =	swait.ge @!p0 [sflag:s0], $0x1  }
0xec: {  	[sflag:s0] =	ssyncset.done @!p0 $0x0  }
0xed: {  	[sflag:s0] =	ssyncadd.s32 @!p0 $0xFFFFFFFF  }
0xee: {  	v2 =	vmov @!p0 s4;
	v1 =	vld.msk @!p0 [tilespmem:$0xB0], $0x1;
	_ =	sdelay $0x3  }
0xef: {  	s0 =	simm.s32 @!p0 $0xE0  }
0xf0: {  	[tilespmem:v2+s0+$0x0], v1 =	vst.idx.ret.add.f32.msk @!p0 $0x1, v1  }
0xf1: {  	[tilespmem:s2+$0xC0] =	vst.msk $0x1, v0  }
0xf2: {  	v0 =	vld.msk [tilespmem:s4+$0xE0], $0x1;
	_ =	sdelay $0x4  }
0xf3: {  	[tilespmem:s2+$0xE0] =	vst.msk $0x1, v0;
	s2 =	sadd.s32 $0x1, s2  }
.LBB2_19:
0xf4: {  	s4 =	sadd.s32 $0x1, s4  }
0xf5: {  	p0 =	sne.s32 s4, $0x20  }
.Ltmp8:
0xf6: {  	_ = 	snop;
	(pc) =	sbr.rel @!p0 .LBB2_20-.Ltmp8, $1  }
0xf7: {  	_ =	sdelay $0x3  }
.LBB2_12:
0xf8: {  	v0 =	vld.msk [tilespmem:s4+$0xC0], $0x1;
	_ =	sdelay $0x4  }
0xf9: {  	(v2sf) =	vpush v0, $0x0;
	_ =	sdelay $0xe  }
0xfa: {  	s5 =	spop (v2sf)  }
0xfb: {  	p0 =	seq.s32 s5, $0xFFFFFFFF  }
.Ltmp9:
0xfc: {  	_ = 	snop;
	(pc) =	sbr.rel @p0 .LBB2_19-.Ltmp9, $1  }
0xfd: {  	_ =	sdelay $0x3  }
0xfe: {  	p0 =	slt.s32 s2, $0x1  }
.Ltmp10:
0xff: {  	_ = 	snop;
	(pc) =	sbr.rel @p0 .LBB2_17-.Ltmp10, $1  }
0x100: {  	_ =	sdelay $0x3  }
0x101: {  	s0 =	simm.s32 $0xC0;
	p0 =	por $0x0, $0x0  }
0x102: {  	v1 =	vld.msk @!p0 [tilespmem:s0+$0x0], $0x1;
	_ =	sdelay $0x4  }
0x103: {  	(v2sf) =	vpush @!p0 v1, $0x0;
	_ =	sdelay $0xd  }
0x104: {  	p2 =	sne.s32 s2, $0x1  }
.Ltmp11:
0x105: {  	s6 =	spop @!p0 (v2sf);
	(pc) =	sbr.rel @!p2 .LBB2_16-.Ltmp11, $4  }
0x106: {  	p1 =	seq.s32 @!p0 s5, s6  }
0x107: {  	s6 =	simm.s32 $0x0;
	p1 =	por !p1, p0  }
0x108: {  	s8 =	simm.s32 $0xFFFFFFFF;
	s6 =	simm.s32 @p1 $0xFFFFFFFF  }
0x109: {  	s7 =	simm.s32 $0x1;
	s6 =	smov.u32 @p0 s8  }
.LBB2_15:
0x10a: {  	s8 =	smov.u32 s6;
	p0 =	sne.s32 s6, $0xFFFFFFFF  }
0x10b: {  	s0 =	sadd.s32 $0x1, s0;
	s6 =	smov.u32 s7;
	s7 =	sadd.s32 $0x1, s7  }
0x10c: {  	p1 =	sne.s32 s2, s7;
	v1 =	vld.msk @!p0 [tilespmem:s0+$0x0], $0x1;
	_ =	sdelay $0x4  }
0x10d: {  	(v2sf) =	vpush @!p0 v1, $0x0;
	_ =	sdelay $0xe  }
.Ltmp12:
0x10e: {  	s9 =	spop @!p0 (v2sf);
	(pc) =	sbr.rel @p1 .LBB2_15-.Ltmp12, $4  }
0x10f: {  	p2 =	seq.s32 @!p0 s5, s9  }
0x110: {  	p2 =	por !p2, p0  }
0x111: {  	s6 =	simm.s32 @p2 $0xFFFFFFFF  }
0x112: {  	s6 =	smov.u32 @p0 s8  }
.LBB2_16:
0x113: {  	p0 =	sne.s32 s6, $0xFFFFFFFF  }
.Ltmp13:
0x114: {  	_ = 	snop;
	(pc) =	sbr.rel @!p0 .LBB2_17-.Ltmp13, $1  }
0x115: {  	_ =	sdelay $0x3  }
0x116: {  	v0 =	vld.msk [tilespmem:s4+$0xE0], $0x1;
	v1 =	vmov s6  }
.Ltmp14:
0x117: {  	_ = 	snop;
	(pc) =	sbr.rel .LBB2_19-.Ltmp14, $2  }
0x118: {  	_ =	sdelay $0x2  }
0x119: {  	[tilespmem:v1+s3+$0x0], v0 =	vst.idx.ret.add.f32.msk $0x1, v0  }
.LBB2_20:
0x11a: {  	p0 =	slt.s32 s2, $0x1  }
.Ltmp15:
0x11b: {  	_ = 	snop;
	(pc) =	sbr.rel @p0 .LBB2_24-.Ltmp15, $3  }
0x11c: {  	_ =	sdelay $0x1  }
0x11d: {  	s0 =	simm.s32 $0x6  }
0x11e: {  	s3 =	simm.s32 $0x0;
	[sflag:s0] =	ssyncpa.u1 $0x1  }
0x11f: {  	s0 =	simm.s32 $0xC0  }
0x120: {  	v0 =	vld.msk [tilespmem:s0+$0x0], $0x1;
	_ =	sdelay $0x4  }
0x121: {  	(v2sf) =	vpush v0, $0x0;
	_ =	sdelay $0xe  }
0x122: {  	s2 =	sadd.s32 $0xFFFFFFFF, s2;
	s4 =	spop (v2sf)  }
0x123: {  	p1 =	sne.s32 s2, $0x0;
	p0 =	sgt.u32 s4, $0x27FF  }
.Ltmp16:
0x124: {  	s5 =	sshrl.u32 @!p0 s4, $0x3;
	(pc) =	sbr.rel @!p1 .LBB2_23-.Ltmp16, $4  }
0x125: {  	s0 =	simm.s32 $0xE0;
	s4 =	sand.u32 @!p0 $0x7, s4;
	s5 =	sadd.s32 @!p0 s1, s5  }
0x126: {  	[hbm4b:s5+s4] =	stream.linear.scatter @!p0 [tilespmem:s0], [sflag:$0x5], $0x1, $0x38;
	[tilespmem:$0x11A60] =	vst v63  }
0x127: {  	s5 =	simm.s32 $0x0  }
0x128: {  	s4 =	simm.s32 $0xC1;
	s5 =	simm.s32 @!p0 $0x4  }
.LBB2_22:
0x129: {  	v0 =	vld.msk [tilespmem:s4+$0x0], $0x1;
	s2 =	sadd.s32 $0xFFFFFFFF, s2;
	s3 =	sadd.s32 s3, s5  }
0x12a: {  	p0 =	sne.s32 s2, $0x0;
	_ =	sdelay $0x3  }
0x12b: {  	(v2sf) =	vpush v0, $0x0;
	_ =	sdelay $0xe  }
.Ltmp17:
0x12c: {  	s6 =	spop (v2sf);
	(pc) =	sbr.rel @p0 .LBB2_22-.Ltmp17, $4  }
0x12d: {  	s5 =	simm.s32 $0x0;
	p1 =	sgt.u32 s6, $0x27FF  }
0x12e: {  	s0 =	sadd.s32 $0x1, s0;
	s5 =	simm.s32 @!p1 $0x4;
	s7 =	sshrl.u32 @!p1 s6, $0x3  }
0x12f: {  	s4 =	sadd.s32 $0x1, s4;
	s6 =	sand.u32 @!p1 $0x7, s6;
	s7 =	sadd.s32 @!p1 s1, s7  }
0x130: {  	[hbm4b:s7+s6] =	stream.linear.scatter @!p1 [tilespmem:s0], [sflag:$0x5], $0x1, $0x38;
	[tilespmem:$0x11A60] =	vst v63  }
.LBB2_23:
0x131: {  	s0 =	sadd.s32 s3, s5  }
0x132: {  	s3 =	sshrl.u32 s0, $0x2  }
.LBB2_24:
0x133: {  	s0 =	simm.s32 $0x5  }
0x134: {  	_ =	swait.ge [sflag:s0], s3  }
0x135: {  	s1 =	ssub.s32 $0x0, s3;
	[sflag:s0] =	ssyncset.done $0x0  }
0x136: {  	[sflag:s0] =	ssyncadd.s32 s1  }
0x137: {  	[sflag:s0] =	ssyncpa.u1 $0x1  }
0x138: {  	s29 =	simm.s32 $0x1;
	_ =	sfence  }
0x139: {  	s30 =	simm.s32 $0x2;
	[sflag:s29] =	ssyncpa.u1 $0x1  }
0x13a: {  	[sflag:s30] =	ssyncpa.u1 $0x1  }
0x13b: {  	_ =	strace $0x9000004A  }
0x13c: {  	[bflag:$0x2] =	sbarrier.arrive $0xFFFF  }
0x13d: {  	s31 =	rddreg [dreg:$0x2]  }
0x13e: {  	s0 =	sadd.s32 $0x100000, s31  }
0x13f: {  	[sflag:s0] =	ssyncadd.tile.s32 $0x1;
	_ =	shalt  }
.Lfunc_end2:
_tile_overlayer_lowered:
.L_overlay_start_2:
0x140: {  	(tag) =	ssettag $0x2  }
0x141: {  	s0 =	rddreg [dreg:$0x0];
	s2 =	stileid.u32  }
0x142: {  	s1 =	rddreg [dreg:$0x1];
	p0 =	sne.s32 s2, $0x0  }
0x143: {  	s3 =	rddreg [dreg:$0x2];
	[bflag:$0x3] =	sbarrier.arrive $0xFFFF;
	s2 =	simm.s32 @!p0 $0x1C01  }
0x144: {  	[timem:s3], [sflag:s2] =	dma.local @!p0 [hbm:s0], s1  }
0x145: {  	s0 =	simm.s32 @!p0 $0x1  }
0x146: {  	_ =	swait.ge @!p0 [sflag:s0], s1  }
0x147: {  	s1 =	ssub.s32 @!p0 $0x0, s1;
	[sflag:s0] =	ssyncset.done @!p0 $0x0  }
0x148: {  	[sflag:s0] =	ssyncadd.s32 @!p0 s1  }
0x149: {  	[bflag:$0x3] =	sbarrier.arrive $0xFFFF  }
0x14a: {  	_ =	shalt  }

// kernel: scatter_offload_async_start.2
scs
__scs_entry_jumppad:
0x0: {  	(pc) =	sbr.rel $0x88, $3  }
0x1: {  	(tag) =	ssettag $0x0;
	lr =	simm.s32 $0x1  }
0x2: {  	[smem:$0x3F97] =	sst lr;
	_ =	strace $0xD0000000  }
0x3: {  	_ = 	snop  }
0x4: {  	_ = 	snop  }
0x5: {  	_ = 	snop  }
0x6: {  	_ = 	snop  }
0x7: {  	_ = 	snop  }
__scs_overlays_trampoline_lowered:
0x8: {  	[smem:$0x3FA6] =	sst s0  }
0x9: {  	[smem:$0x3FA7] =	sst s1  }
0xa: {  	[smem:$0x3FA8] =	sst s2  }
0xb: {  	[smem:$0x3FA9] =	sst s3  }
0xc: {  	[smem:$0x3FAA] =	sst s4  }
0xd: {  	[smem:$0x3FAB] =	sst s5  }
0xe: {  	[smem:$0x3FAC] =	sst s6  }
0xf: {  	[smem:$0x3FAD] =	sst s7  }
0x10: {  	[smem:$0x3FAE] =	sst s8  }
0x11: {  	[smem:$0x3FAF] =	sst s9;
	s0 =	simm.s32 @!p0 $0x0  }
0x12: {  	s1 =	sld [smem:$0x3F95];
	s0 =	simm.s32 @p0 $0x1  }
0x13: {  	[smem:$0x3FB0] =	sst s0;
	s0 =	simm.s32 @!p1 $0x0  }
0x14: {  	s2 =	sld [smem:$0x3F94];
	s0 =	simm.s32 @p1 $0x1  }
0x15: {  	[smem:$0x3FB1] =	sst s0;
	s0 =	simm.s32 @!p2 $0x0  }
0x16: {  	s3 =	sld [smem:$0x3FDB];
	s0 =	simm.s32 @p2 $0x1  }
0x17: {  	s4 =	simm.s32 $0x1BF5;
	[smem:$0x3FB3] =	sst s0  }
0x18: {  	s0 =	sld [smem:$0x3F96];
	_ =	swait.ge [sflag:s4], $0x0  }
0x19: {  	s7 =	sld [smem:$0x3F97]  }
0x1a: {  	s8 =	sadd.s32 $0xFFFFE003, lr  }
0x1b: {  	s9 =	sadd.s32 $0xFFFFFEF7, lr;
	s5 =	simm.s32 $0xFFFFFFFF;
	p2 =	slt.u32 s8, $0xFFFFF086  }
0x1c: {  	p1 =	slt.u32 s9, $0xF7A;
	s5 =	simm.s32 @!p2 $0x0  }
0x1d: {  	s5 =	simm.s32 @p1 $0x1;
	p0 =	seq.s32 s7, s2  }
0x1e: {  	s7 =	smul.u32 @!p0 $0xF7A, s2;
	p2 =	seq.s32 @!p0 s5, $0x0  }
0x1f: {  	s9 =	smul.u32 $0xF7A, s1;
	s8 =	simm.s32 @!p0 $0x1BF5;
	p2 =	por !p2, p0  }
0x20: {  	[sflag:s8] =	ssyncset.s32 @!p0 $0xFFFFF086;
	s6 =	sadd.s32 @!p0 s3, s7;
	s7 =	simm.s32 @!p0 $0x108  }
0x21: {  	s3 =	sadd.s32 s3, s9;
	s6 =	sadd.s32 @!p0 $0x88, s6;
	s7 =	simm.s32 @p2 $0x1082  }
0x22: {  	[simem:s7], [sflag:s8] =	dma.local @!p0 [hbm:s6], $0xF7A  }
0x23: {  	s9 =	sor.u32 $0xD0000000, s2;
	s6 =	simm.s32 $0x108;
	_ =	swait.ge @!p0 [sflag:s8], $0x0  }
0x24: {  	s3 =	sadd.s32 $0x88, s3;
	s6 =	simm.s32 @!p1 $0x1082;
	[sflag:s4] =	ssyncset.s32 $0xFFFFF086  }
0x25: {  	[simem:s6], [sflag:s4] =	dma.local [hbm:s3], $0xF7A  }
0x26: {  	[smem:$0x3F97] =	sst s1;
	(tag) =	ssettag s2;
	_ =	strace s9  }
0x27: {  	s1 =	sld [smem:$0x3FA7]  }
0x28: {  	s2 =	sld [smem:$0x3FA8]  }
0x29: {  	s4 =	sld [smem:$0x3FAA]  }
0x2a: {  	p0 =	seq.s32 s5, $0x0;
	s5 =	sld [smem:$0x3FAB]  }
0x2b: {  	s6 =	sld [smem:$0x3FAC]  }
0x2c: {  	s7 =	sld [smem:$0x3FAD]  }
0x2d: {  	s3 =	simm.s32 $0x108;
	s8 =	sld [smem:$0x3FAE]  }
0x2e: {  	s3 =	simm.s32 @!p0 $0x1082;
	s9 =	sld [smem:$0x3FAF]  }
0x2f: {  	lr =	sadd.s32 s0, s3;
	s0 =	sld [smem:$0x3FA6]  }
0x30: {  	s3 =	sld [smem:$0x3FA9]  }
0x31: {  	[smem:$0x3FB2] =	sst s10  }
0x32: {  	s10 =	sld [smem:$0x3FB0];
	_ =	sdelay $0x3  }
0x33: {  	p0 =	seq.s32 s10, $0x1;
	s10 =	sld [smem:$0x3FB2];
	_ =	sdelay $0x3  }
0x34: {  	[smem:$0x3FB2] =	sst s10  }
0x35: {  	s10 =	sld [smem:$0x3FB1];
	_ =	sdelay $0x3  }
0x36: {  	p1 =	seq.s32 s10, $0x1;
	s10 =	sld [smem:$0x3FB2];
	_ =	sdelay $0x3  }
0x37: {  	[smem:$0x3FB2] =	sst s10  }
0x38: {  	s10 =	sld [smem:$0x3FB3]  }
0x39: {  	_ = 	snop;
	(pc) =	sbr.ind lr, $3  }
0x3a: {  	_ = 	snop  }
0x3b: {  	_ = 	snop  }
0x3c: {  	p2 =	seq.s32 s10, $0x1;
	s10 =	sld [smem:$0x3FB2]  }
0x3d: {  	_ =	shalt  }
0x3e: {  	_ =	shalt  }
0x3f: {  	_ =	shalt  }
0x40: {  	_ =	shalt  }
0x41: {  	_ =	shalt  }
0x42: {  	_ =	shalt  }
0x43: {  	_ =	shalt  }
0x44: {  	_ =	shalt  }
0x45: {  	_ =	shalt  }
0x46: {  	_ =	shalt  }
0x47: {  	_ =	shalt  }
0x48: {  	_ =	shalt  }
0x49: {  	_ =	shalt  }
0x4a: {  	_ =	shalt  }
0x4b: {  	_ =	shalt  }
0x4c: {  	_ =	shalt  }
0x4d: {  	_ =	shalt  }
0x4e: {  	_ =	shalt  }
0x4f: {  	_ =	shalt  }
0x50: {  	_ =	shalt  }
0x51: {  	_ =	shalt  }
0x52: {  	_ =	shalt  }
0x53: {  	_ =	shalt  }
0x54: {  	_ =	shalt  }
0x55: {  	_ =	shalt  }
0x56: {  	_ =	shalt  }
0x57: {  	_ =	shalt  }
0x58: {  	_ =	shalt  }
0x59: {  	_ =	shalt  }
0x5a: {  	_ =	shalt  }
0x5b: {  	_ =	shalt  }
0x5c: {  	_ =	shalt  }
0x5d: {  	_ =	shalt  }
0x5e: {  	_ =	shalt  }
0x5f: {  	_ =	shalt  }
0x60: {  	_ =	shalt  }
0x61: {  	_ =	shalt  }
0x62: {  	_ =	shalt  }
0x63: {  	_ =	shalt  }
0x64: {  	_ =	shalt  }
0x65: {  	_ =	shalt  }
0x66: {  	_ =	shalt  }
0x67: {  	_ =	shalt  }
0x68: {  	_ =	shalt  }
0x69: {  	_ =	shalt  }
0x6a: {  	_ =	shalt  }
0x6b: {  	_ =	shalt  }
0x6c: {  	_ =	shalt  }
0x6d: {  	_ =	shalt  }
0x6e: {  	_ =	shalt  }
0x6f: {  	_ =	shalt  }
0x70: {  	_ =	shalt  }
0x71: {  	_ =	shalt  }
0x72: {  	_ =	shalt  }
0x73: {  	_ =	shalt  }
0x74: {  	_ =	shalt  }
0x75: {  	_ =	shalt  }
0x76: {  	_ =	shalt  }
0x77: {  	_ =	shalt  }
0x78: {  	_ =	shalt  }
0x79: {  	_ =	shalt  }
0x7a: {  	_ =	shalt  }
0x7b: {  	_ =	shalt  }
0x7c: {  	_ =	shalt  }
0x7d: {  	_ =	shalt  }
0x7e: {  	_ =	shalt  }
0x7f: {  	_ =	shalt  }
0x80: {  	_ =	shalt  }
0x81: {  	_ =	shalt  }
0x82: {  	_ =	shalt  }
0x83: {  	_ =	shalt  }
0x84: {  	_ =	shalt  }
0x85: {  	_ =	shalt  }
0x86: {  	_ =	shalt  }
0x87: {  	_ =	shalt  }
.Lfunc_end0:
.L_simem_size_0:
called_computation.2_lowered:
.L_overlay_start_0:
0x88: {  	s2 =	sld [smem:$0x3FD9]  }
0x89: {  	s3 =	sld [smem:$0x3FFE];
	_ =	sdelay $0x1  }
0x8a: {  	s1 =	srdreg.scid  }
0x8b: {  	s0 =	sand.u32 $0x1, s1  }
0x8c: {  	s15 =	sshll.u32 s0, $0xA;
	s2 =	sadd.s32 s3, s2  }
0x8d: {  	s2 =	sadd.s32 s2, s15  }
0x8e: {  	[smem:$0x3FBE] =	sst s2  }
0x8f: {  	_ = 	snop  }
0x90: {  	(tm) =	ssettm $0x1  }
0x91: {  	s16 =	sld [smem:$0x3FFB];
	_ =	sdelay $0x3  }
0x92: {  	_ =	strace s16  }
0x93: {  	s2 =	sld [smem:$0x3FFC];
	_ =	sdelay $0x3  }
0x94: {  	_ =	strace s2  }
0x95: {  	s2 =	sld [smem:$0x3FFD];
	_ =	sdelay $0x3  }
0x96: {  	_ =	strace s2  }
0x97: {  	_ =	strace $0x8FFFFFFF  }
0x98: {  	s17 =	sld [smem:$0x3FDB];
	_ =	sdelay $0x1  }
0x99: {  	s18 =	simm.s32 $_scs_section_size  }
0x9a: {  	s4 =	simm.s32 $_size__tile_overlayer_lowered;
	s5 =	simm.s32 $_tile_overlayer_lowered  }
0x9b: {  	s21 =	simm.s32 $0x1BFF;
	s20 =	sshll.u32 s5, $0x1;
	s2 =	sadd.s32 s18, s17  }
0x9c: {  	s6 =	simm.s32 $0x0;
	s19 =	sshll.u32 s4, $0x1;
	s4 =	sadd.s32 s20, s2  }
0x9d: {  	[timem:s6], [sflag:s21] =	dma.local [hbm:s4], s19  }
0x9e: {  	_ =	swait.ge [sflag:s21], s19  }
0x9f: {  	s3 =	ssub.s32 $0x0, s19;
	[sflag:s21] =	ssyncset.done $0x0  }
0xa0: {  	[sflag:s21] =	ssyncadd.s32 s3;
	_ =	sdelay $0x1  }
0xa1: {  	s22 =	simm.s32 $0x1B8B  }
0xa2: {  	_ =	swait.ge [sflag:s22], $0x1  }
0xa3: {  	[sflag:s22] =	ssyncset.done $0x0  }
0xa4: {  	s23 =	sld [smem:$0x3FFE];
	[sflag:s22] =	ssyncadd.s32 $0xFFFFFFFF  }
0xa5: {  	s25 =	simm.s32 $0x1B8E;
	s24 =	sld [smem:$0x0]  }
0xa6: {  	s26 =	simm.s32 $execute0_lowered;
	[smem:$0x3FD2] =	sst s25  }
0xa7: {  	s5 =	sshll.u32 s26, $0x1;
	_ =	strace $0x8000004C;
	[dreg:$0x1] =	wrdreg $0xFFFFFFFF  }
0xa8: {  	s28 =	simm.s32 $_size_execute0_lowered;
	s2 =	sadd.s32 s2, s5;
	[dreg:$0x0] =	wrdreg $0x0  }
0xa9: {  	s5 =	sshll.u32 s28, $0x1;
	[dreg:$0x2] =	wrdreg s2  }
0xaa: {  	[dreg:$0x3] =	wrdreg s5  }
0xab: {  	[dreg:$0x4] =	wrdreg $0xC0  }
0xac: {  	_ =	task [dreg:s6], $0x5FFFF  }
0xad: {  	[dreg:$0x1] =	wrdreg $0xFFFFFFFF  }
0xae: {  	[dreg:$0x0] =	wrdreg $0x60  }
0xaf: {  	[dreg:$0x2] =	wrdreg s23  }
0xb0: {  	[dreg:$0x3] =	wrdreg s1  }
0xb1: {  	[dreg:$0x4] =	wrdreg s24  }
0xb2: {  	[dreg:$0x5] =	wrdreg $0x9  }
0xb3: {  	_ =	task.clear_ibuf [dreg:s6], $0x6FFFF;
	_ =	strace $0x9000004C  }
0xb4: {  	s29 =	simm.s32 $0x9;
	_ =	strace $0x8000004E  }
0xb5: {  	_ =	swait.ge [sflag:s29], $0x1  }
0xb6: {  	[sflag:s29] =	ssyncadd.s32 $0xFFFFFFFF  }
0xb7: {  	_ =	strace $0x9000004E  }
0xb8: {  	_ =	sfence  }
0xb9: {  	s30 =	sld [smem:$0x0];
	_ =	sdelay $0x2  }
0xba: {  	s31 =	sshll.u32 s1, $0xD;
	s1 =	sshrl.u32 s1, $0x2  }
0xbb: {  	s3 =	sand.u32 $0x4000, s31;
	s1 =	sadd.s32 s1, s30  }
0xbc: {  	s0 =	sor.u32 s3, s0;
	s1 =	sshll.u32 s1, $0x11  }
0xbd: {  	s0 =	sor.u32 s1, s0  }
0xbe: {  	s0 =	sadd.s32 $0x8F2B, s0  }
0xbf: {  	[sflag:s0] =	ssyncadd.remote.s32 $0x1  }
0xc0: {  	_ =	sfence.sel $0xFFFF  }
0xc1: {  	[dreg:$0x0] =	wrdreg $0xFFFFFFFF;
	(pc) =	sbr.abs _section_cstart, $3  }
0xc2: {  	[dreg:$0x1] =	wrdreg $0xFFFFFFFF  }
0xc3: {  	_ =	task.clear_ibuf [dreg:s6], $0x2FFFF;
	_ =	strace $0x9FFFFFFF  }
0xc4: {  	(tm) =	ssettm $0x7FFFFFFF  }
0xc5: {  	_ =	shalt  }
tec
execute0_lowered:
.L_overlay_start_1:
0x0: {  	(tag) =	ssettag $0x1  }
0x1: {  	s2 =	rddreg [dreg:$0x0]  }
0x2: {  	s4 =	rddreg [dreg:$0x1];
	_ =	strace $0x8000004D;
	s0 =	simm.s32 $0x1  }
0x3: {  	s3 =	simm.s32 $0x88;
	v0 =	vimm.s32 $0x0;
	[sflag:s0] =	ssyncpa.u1 $0x0  }
0x4: {  	s1 =	sadd.s32 $0x292600, s2;
	[tilespmem:s3+$0x30] =	vst v0  }
0x5: {  	s0 =	sadd.s32 $0x288600, s2;
	s6 =	sadd.s32 $0xE00, s2;
	[tilespmem:s3+$0x20] =	vst v0  }
0x6: {  	s2 =	sadd.s32 $0x28D600, s2;
	s7 =	sand.u32 $0x1, s4;
	s4 =	simm.s32 $0x40;
	[tilespmem:s3+$0x10] =	vst v0  }
.LBB2_1:
0x7: {  	s4 =	sadd.s32 $0x40, s4  }
0x8: {  	[tilespmem:s3+$0x0] =	vst v0;
	s3 =	sadd.s32 $0x40, s3;
	p0 =	slt.u32 s4, $0x5040  }
.Ltmp0:
0x9: {  	(pc) =	sbr.rel @p0 .LBB2_1-.Ltmp0, $4  }
0xa: {  	_ = 	snop  }
0xb: {  	[tilespmem:s3+$0x30] =	vst v0  }
0xc: {  	[tilespmem:s3+$0x20] =	vst v0  }
0xd: {  	[tilespmem:s3+$0x10] =	vst v0  }
0xe: {  	s8 =	stileid.u32  }
0xf: {  	s4 =	smul.u32 $0xF, s8  }
0x10: {  	s5 =	smin.u32 s8, $0xA  }
0x11: {  	s4 =	sadd.s32 s5, s4  }
0x12: {  	p0 =	slt.u32 s8, $0xA;
	s12 =	smul.u32 $0x140, s4;
	s4 =	simm.s32 $0x1400  }
0x13: {  	s4 =	simm.s32 @!p0 $0x12C0  }
0x14: {  	s25 =	simm.s32 $0x2;
	s4 =	sadd.s32 s4, s12  }
0x15: {  	s28 =	simm.s32 $0x9;
	s9 =	simm.s32 $0xA;
	s14 =	smin.u32 s4, $0x13880  }
0x16: {  	s30 =	simm.s32 $0xB;
	[dreg:$0x4] =	wrdreg s7;
	s4 =	ssub.s32 s14, s12  }
0x17: {  	s31 =	smul.u32 $0x2710, s7;
	s13 =	simm.s32 $0x1;
	p0 =	sgt.s32 s4, $0x0  }
0x18: {  	s19 =	simm.s32 $0x0;
	s20 =	simm.s32 $0xA808;
	s4 =	simm.s32 @!p0 $0x0  }
0x19: {  	s21 =	simm.s32 $0xFFFFFFFF;
	p1 =	por $0x0, $0x0;
	s26 =	smulhi.u32 $0x66666667, s4  }
0x1a: {  	[tilespmem:s3+$0x0] =	vst v0;
	s23 =	simm.s32 $0x0;
	[sflag:s25] =	ssyncpa.u1 $0x0;
	s18 =	sshll.u32 s8, $0x7  }
0x1b: {  	s0 =	sadd.s32 s31, s0;
	[dreg:$0xa] =	wrdreg s18;
	s3 =	sshrl.u32 s26, $0x7  }
0x1c: {  	v0 =	vimm.s32 $0xFFFFFFFF;
	s17 =	sadd.s32 s31, s2;
	[dreg:$0x9] =	wrdreg s0;
	s29 =	smul.u32 $0x140, s3  }
0x1d: {  	s25 =	simm.s32 $0x0;
	[tilespmem:$0xA108] =	vst v0;
	[sflag:s28] =	ssyncpa.u1 $0x0;
	[dreg:$0x8] =	wrdreg s17  }
.Ltmp1:
0x1e: {  	p0 =	sne.s32 s4, s29;
	s4 =	simm.s32 $0x1;
	(pc) =	sbr.rel .LBB2_3-.Ltmp1, $4  }
0x1f: {  	[sflag:s9] =	ssyncpa.u1 $0x0;
	[dreg:$0x5] =	wrdreg s12;
	s4 =	simm.s32 @!p0 $0x0  }
0x20: {  	[sflag:s30] =	ssyncpa.u1 $0x0;
	[dreg:$0x6] =	wrdreg s14;
	s15 =	sadd.s32 s4, s3  }
0x21: {  	s24 =	smov.u32 s12;
	s22 =	sadd.s32 $0x1, s15;
	[dreg:$0x7] =	wrdreg s15  }
0x22: {  	v0 =	vlaneseq.u32;
	s26 =	simm.s32 $0x0;
	p0 =	por $0x1, $0x1;
	[dreg:$0xb] =	wrdreg s22  }
.LBB2_22:
0x23: {  	s0 =	sshrl.u32 s3, $0x2  }
.LBB2_24:
0x24: {  	s3 =	simm.s32 $0xC  }
0x25: {  	_ =	swait.ge [sflag:s3], s0  }
0x26: {  	s31 =	ssub.s32 $0x0, s0;
	v1 =	vmov s4;
	vm0 =	veq.s32 v0, $0x0;
	[sflag:s3] =	ssyncset.done $0x0  }
0x27: {  	vm15 =	veq.s32 v0, $0x2;
	v1 =	vsel vm0, s2, v1;
	[sflag:s3] =	ssyncadd.s32 s31  }
0x28: {  	v1 =	vsel vm15, s26, v1;
	[sflag:s3] =	ssyncpa.u1 $0x1  }
0x29: {  	[tilespmem:$0xA108] =	vst v1  }
.LBB2_25:
0x2a: {  	s0 =	sadd.s32 $0x140, s24  }
0x2b: {  	s2 =	smov.u32 s12;
	p2 =	slt.s32 s0, s14  }
0x2c: {  	s2 =	smov.u32 @p2 s0;
	p2 =	sne.s32 s25, s22  }
.Ltmp2:
0x2d: {  	_ = 	snop;
	(pc) =	sbr.rel @!p2 .LBB2_26-.Ltmp2, $4  }
0x2e: {  	_ = 	snop  }
0x2f: {  	s26 =	smov.u32 s23;
	s31 =	sadd.s32 $0x1, s25;
	p0 =	por !p0, !p0  }
0x30: {  	s23 =	smov.u32 s24;
	s20 =	sadd.s32 $0x140, s20;
	s21 =	sadd.s32 $0x1, s21  }
0x31: {  	p1 =	por !p1, !p1;
	s25 =	smov.u32 s31;
	s24 =	smov.u32 s2  }
.LBB2_3:
0x32: {  	p2 =	sge.u32 s25, s15  }
0x33: {  	s0 =	smulhi.u32 @!p2 $0xAAAAAAAB, s25  }
0x34: {  	s2 =	smov.u32 s24;
	p3 =	sgt.s32 @!p2 s24, $0x13740  }
0x35: {  	s3 =	sshra.s32 @!p2 s24, $0x1F;
	p3 =	por !p3, p2;
	s0 =	sshrl.u32 @!p2 s0, $0x1  }
0x36: {  	s3 =	sand.u32 @!p2 s3, s24;
	s2 =	simm.s32 @p3 $0x13740;
	s0 =	smul.u32 @!p2 $0x3, s0  }
0x37: {  	s2 =	ssub.s32 @!p2 s2, s3  }
0x38: {  	s2 =	sadd.s32 @!p2 $0xFFFEC8C0, s2;
	s0 =	ssub.s32 @!p2 s25, s0  }
0x39: {  	s3 =	sshll.u32 @!p2 s2, $0x2;
	p3 =	sgt.s32 @!p2 s2, $0x13F;
	s0 =	smul.u32 @!p2 $0x500, s0  }
0x3a: {  	s4 =	sand.u32 @!p2 $0x7, s24;
	s2 =	ssub.s32 @!p2 $0x500, s3;
	p3 =	por !p3, p2  }
0x3b: {  	s3 =	sshrl.u32 @!p2 s24, $0x3;
	s2 =	sshrl.u32 @!p2 s2, $0x2;
	s0 =	sshrl.u32 @!p2 s0, $0x2  }
0x3c: {  	s3 =	sadd.s32 @!p2 s3, s17;
	s2 =	simm.s32 @!p3 $0x0;
	s0 =	sadd.s32 @!p2 $0xA948, s0  }
0x3d: {  	[tilespmem:s0], [sflag:$0xA] =	stream.linear.gather @!p2 [hbm4b:s3+s4], s2, $0x38;
	[tilespmem:$0x1EF88] =	vst v63  }
0x3e: {  	s0 =	sadd.s32 $0xFFFFFFFF, s25  }
0x3f: {  	p2 =	sge.u32 s0, s15  }
.Ltmp3:
0x40: {  	_ = 	snop;
	(pc) =	sbr.rel @p2 .LBB2_7-.Ltmp3, $1  }
0x41: {  	_ =	sdelay $0x3  }
0x42: {  	p2 =	sgt.s32 s23, $0x13740;
	s2 =	smov.u32 s23;
	s3 =	sshra.s32 s23, $0x1F  }
0x43: {  	s2 =	simm.s32 @!p2 $0x13740;
	s3 =	sand.u32 s3, s23  }
0x44: {  	s17 =	smulhi.u32 $0xAAAAAAAB, s21;
	s2 =	ssub.s32 s2, s3  }
0x45: {  	s0 =	sand.u32 $0x1, s0;
	s2 =	sadd.s32 $0xFFFEC8C0, s2  }
0x46: {  	s5 =	simm.s32 $0xA;
	s3 =	sshrl.u32 s17, $0x1;
	s4 =	sshll.u32 s2, $0x2  }
0x47: {  	s7 =	sshrl.u32 s23, $0x3;
	s3 =	smul.u32 $0xFFFFF100, s3;
	s4 =	ssub.s32 $0x500, s4  }
0x48: {  	s18 =	smul.u32 $0x500, s0;
	p2 =	sgt.s32 s2, $0x13F;
	s2 =	sshrl.u32 s4, $0x2  }
0x49: {  	s9 =	sand.u32 $0x7, s23;
	s3 =	sshra.s32 s3, $0x2;
	s2 =	simm.s32 @p2 $0x0  }
0x4a: {  	s0 =	sadd.s32 s3, s20;
	s4 =	sshrl.u32 s18, $0x2;
	_ =	swait.ge [sflag:s5], s2  }
0x4b: {  	s22 =	ssub.s32 $0x0, s2;
	[sflag:s5] =	ssyncset.done $0x0;
	s8 =	rddreg [dreg:$0x9]  }
0x4c: {  	s4 =	sadd.s32 $0xAD08, s4;
	[sflag:s5] =	ssyncadd.s32 s22;
	s3 =	sadd.s32 s7, s8  }
0x4d: {  	[tilespmem:s4], [sflag:$0xB] =	stream.linear.gather [hbm4b:s3+s9], s2, $0x38;
	[tilespmem:$0x1EF88] =	vst v63  }
0x4e: {  	v1 =	vld.msk [tilespmem:s0+$0x0], $0xffff;
	_ =	sdelay $0x4  }
0x4f: {  	v1 =	vshll.u32 v1, $0x4  }
0x50: {  	(v2sf) =	vpush v1, $0x0  }
0x51: {  	(v2sf) =	vpush v1, $0x1  }
0x52: {  	(v2sf) =	vpush v1, $0x2;
	_ =	sdelay $0x3  }
0x53: {  	(v2sf) =	vpush v1, $0x3;
	_ =	sdelay $0x1  }
0x54: {  	(v2sf) =	vpush v1, $0x4  }
0x55: {  	s2 =	simm.s32 $0x1;
	(v2sf) =	vpush v1, $0x5  }
0x56: {  	s2 =	simm.s32 @!p0 $0x0  }
0x57: {  	s2 =	smul.u32 $0x28000, s2;
	(v2sf) =	vpush v1, $0x6;
	_ =	sdelay $0x1  }
0x58: {  	s2 =	sshrl.u32 s2, $0x2  }
0x59: {  	s28 =	sadd.s32 $0xB708, s2  }
0x5a: {  	s12 =	sadd.s32 $0xFFFFF880, s28;
	s17 =	sadd.s32 $0xFFFFF900, s28;
	s10 =	spop (v2sf);
	(v2sf) =	vpush v1, $0x7  }
0x5b: {  	s18 =	sadd.s32 $0xFFFFF980, s28;
	s11 =	sand.u32 $0x1FFFFFF0, s10;
	s14 =	spop (v2sf)  }
0x5c: {  	(v2sf) =	vpush v1, $0x8;
	s2 =	sadd.s32 s6, s11;
	s15 =	sand.u32 $0x1FFFFFF0, s14;
	s16 =	spop (v2sf)  }
0x5d: {  	[tilespmem:s12], [sflag:$0x9] =	stream.linear.gather [hbm4b:s2+s19], $0x3C, $0x38;
	[tilespmem:$0x1EF88] =	vst v63  }
0x5e: {  	s5 =	sadd.s32 $0xFFFFFA00, s28;
	s2 =	sadd.s32 s6, s15;
	s3 =	sand.u32 $0x1FFFFFF0, s16  }
0x5f: {  	(v2sf) =	vpush v1, $0x9;
	[tilespmem:s17], [sflag:$0x9] =	stream.linear.gather [hbm4b:s2+s19], $0x3C, $0x38;
	[tilespmem:$0x1EF88] =	vst v63  }
0x60: {  	s7 =	sadd.s32 $0xFFFFFA80, s28;
	s22 =	spop (v2sf);
	s3 =	sadd.s32 s6, s3  }
0x61: {  	(v2sf) =	vpush v1, $0xA;
	[tilespmem:s18], [sflag:$0x9] =	stream.linear.gather [hbm4b:s3+s19], $0x3C, $0x38;
	[tilespmem:$0x1EF88] =	vst v63  }
0x62: {  	s11 =	sadd.s32 $0xFFFFFB00, s28;
	s4 =	spop (v2sf);
	(v2sf) =	vpush v1, $0xB;
	s3 =	sand.u32 $0x1FFFFFF0, s22  }
0x63: {  	s8 =	spop (v2sf);
	s2 =	sadd.s32 s6, s3;
	s3 =	sand.u32 $0x1FFFFFF0, s4  }
0x64: {  	(v2sf) =	vpush v1, $0xC;
	[tilespmem:s5], [sflag:$0x9] =	stream.linear.gather [hbm4b:s2+s19], $0x3C, $0x38;
	[tilespmem:$0x1EF88] =	vst v63  }
0x65: {  	s9 =	sand.u32 $0x1FFFFFF0, s8;
	s10 =	spop (v2sf);
	s3 =	sadd.s32 s6, s3  }
0x66: {  	(v2sf) =	vpush v1, $0xD;
	[tilespmem:s7], [sflag:$0x9] =	stream.linear.gather [hbm4b:s3+s19], $0x3C, $0x38;
	[tilespmem:$0x1EF88] =	vst v63  }
0x67: {  	s12 =	sadd.s32 $0xFFFFFB80, s28;
	s2 =	sadd.s32 s6, s9;
	s3 =	sand.u32 $0x1FFFFFF0, s10  }
0x68: {  	[tilespmem:s11], [sflag:$0x9] =	stream.linear.gather [hbm4b:s2+s19], $0x3C, $0x38;
	[tilespmem:$0x1EF88] =	vst v63  }
0x69: {  	s17 =	sadd.s32 $0xFFFFFC00, s28;
	s3 =	sadd.s32 s6, s3;
	s14 =	spop (v2sf)  }
0x6a: {  	[tilespmem:s12], [sflag:$0x9] =	stream.linear.gather [hbm4b:s3+s19], $0x3C, $0x38;
	(v2sf) =	vpush v1, $0xE;
	[tilespmem:$0x1EF88] =	vst v63  }
0x6b: {  	s18 =	sadd.s32 $0xFFFFFC80, s28;
	s15 =	sand.u32 $0x1FFFFFF0, s14;
	s16 =	spop (v2sf)  }
0x6c: {  	s5 =	sadd.s32 $0xFFFFFD00, s28;
	(v2sf) =	vpush v1, $0xF;
	s2 =	sadd.s32 s6, s15;
	s3 =	sand.u32 $0x1FFFFFF0, s16  }
0x6d: {  	[tilespmem:s17], [sflag:$0x9] =	stream.linear.gather [hbm4b:s2+s19], $0x3C, $0x38;
	[tilespmem:$0x1EF88] =	vst v63  }
0x6e: {  	s7 =	sadd.s32 $0xFFFFFD80, s28;
	s22 =	spop (v2sf);
	s3 =	sadd.s32 s6, s3  }
0x6f: {  	[tilespmem:s18], [sflag:$0x9] =	stream.linear.gather [hbm4b:s3+s19], $0x3C, $0x38;
	[tilespmem:$0x1EF88] =	vst v63  }
0x70: {  	s11 =	sadd.s32 $0xFFFFFE00, s28;
	s4 =	spop (v2sf);
	s3 =	sand.u32 $0x1FFFFFF0, s22  }
0x71: {  	s8 =	spop (v2sf);
	s2 =	sadd.s32 s6, s3;
	s3 =	sand.u32 $0x1FFFFFF0, s4  }
0x72: {  	[tilespmem:s5], [sflag:$0x9] =	stream.linear.gather [hbm4b:s2+s19], $0x3C, $0x38;
	[tilespmem:$0x1EF88] =	vst v63  }
0x73: {  	s9 =	sand.u32 $0x1FFFFFF0, s8;
	s10 =	spop (v2sf);
	s3 =	sadd.s32 s6, s3  }
0x74: {  	[tilespmem:s7], [sflag:$0x9] =	stream.linear.gather [hbm4b:s3+s19], $0x3C, $0x38;
	[tilespmem:$0x1EF88] =	vst v63  }
0x75: {  	s14 =	spop (v2sf);
	s2 =	sadd.s32 s6, s9;
	s3 =	sand.u32 $0x1FFFFFF0, s10  }
0x76: {  	[tilespmem:s11], [sflag:$0x9] =	stream.linear.gather [hbm4b:s2+s19], $0x3C, $0x38;
	[tilespmem:$0x1EF88] =	vst v63  }
0x77: {  	s12 =	sadd.s32 $0xFFFFFE80, s28;
	s15 =	sand.u32 $0x1FFFFFF0, s14;
	s3 =	sadd.s32 s6, s3  }
0x78: {  	[tilespmem:s12], [sflag:$0x9] =	stream.linear.gather [hbm4b:s3+s19], $0x3C, $0x38;
	[tilespmem:$0x1EF88] =	vst v63  }
0x79: {  	s17 =	sadd.s32 $0xFFFFFF00, s28;
	s2 =	sadd.s32 s6, s15;
	s16 =	spop (v2sf)  }
0x7a: {  	[tilespmem:s17], [sflag:$0x9] =	stream.linear.gather [hbm4b:s2+s19], $0x3C, $0x38;
	[tilespmem:$0x1EF88] =	vst v63  }
0x7b: {  	s29 =	simm.s32 $0x0;
	s3 =	sand.u32 $0x1FFFFFF0, s16;
	s18 =	spop (v2sf)  }
0x7c: {  	s22 =	sadd.s32 $0xFFFFFF80, s28;
	s3 =	sadd.s32 s6, s3;
	s2 =	sand.u32 $0x1FFFFFF0, s18  }
0x7d: {  	[tilespmem:s22], [sflag:$0x9] =	stream.linear.gather [hbm4b:s3+s19], $0x3C, $0x38;
	[tilespmem:$0x1EF88] =	vst v63  }
0x7e: {  	s31 =	sadd.s32 $0x10, s0;
	s30 =	sadd.s32 $0x800, s28;
	s2 =	sadd.s32 s6, s2  }
.LBB2_5:
0x7f: {  	[tilespmem:s28], [sflag:$0x9] =	stream.linear.gather [hbm4b:s2+s19], $0x3C, $0x38;
	[tilespmem:$0x1EF88] =	vst v63  }
0x80: {  	s29 =	sadd.s32 $0x10, s29;
	s28 =	smov.u32 s30  }
0x81: {  	p2 =	slt.u32 s29, $0x130;
	v1 =	vld.msk [tilespmem:s31+$0x0], $0xffff;
	_ =	sdelay $0x4  }
0x82: {  	v1 =	vshll.u32 v1, $0x4  }
0x83: {  	(v2sf) =	vpush v1, $0x0  }
0x84: {  	(v2sf) =	vpush v1, $0x1  }
0x85: {  	(v2sf) =	vpush v1, $0x2;
	_ =	sdelay $0x1  }
0x86: {  	(v2sf) =	vpush v1, $0x3;
	_ =	sdelay $0x1  }
0x87: {  	(v2sf) =	vpush v1, $0x4;
	_ =	sdelay $0x1  }
0x88: {  	(v2sf) =	vpush v1, $0x5;
	_ =	sdelay $0x1  }
0x89: {  	(v2sf) =	vpush v1, $0x6  }
0x8a: {  	s4 =	sadd.s32 $0xFFFFFE80, s30;
	s0 =	sadd.s32 $0xFFFFFF00, s30  }
0x8b: {  	s3 =	sadd.s32 $0xFFFFFD00, s30;
	s2 =	sadd.s32 $0xFFFFFD80, s30;
	s5 =	sadd.s32 $0xFFFFFE00, s30;
	(v2sf) =	vpush v1, $0x7  }
0x8c: {  	s10 =	sadd.s32 $0xFFFFFB80, s30;
	s9 =	sadd.s32 $0xFFFFFC00, s30;
	s16 =	sadd.s32 $0xFFFFFC80, s30  }
0x8d: {  	s11 =	sadd.s32 $0xFFFFFA00, s30;
	s12 =	sadd.s32 $0xFFFFFA80, s30;
	s15 =	sadd.s32 $0xFFFFFB00, s30;
	(v2sf) =	vpush v1, $0x8  }
0x8e: {  	s18 =	sadd.s32 $0xFFFFF900, s30;
	s7 =	sadd.s32 $0xFFFFF980, s30;
	s22 =	spop (v2sf)  }
0x8f: {  	s8 =	sadd.s32 $0xFFFFF880, s30;
	s22 =	sand.u32 $0x1FFFFFF0, s22;
	s14 =	spop (v2sf);
	(v2sf) =	vpush v1, $0x9  }
0x90: {  	s22 =	sadd.s32 s6, s22;
	s14 =	sand.u32 $0x1FFFFFF0, s14;
	s17 =	spop (v2sf)  }
0x91: {  	[tilespmem:s8], [sflag:$0x9] =	stream.linear.gather [hbm4b:s22+s19], $0x3C, $0x38;
	(v2sf) =	vpush v1, $0xA;
	[tilespmem:$0x1EF88] =	vst v63  }
0x92: {  	s8 =	sadd.s32 s6, s14;
	s14 =	sand.u32 $0x1FFFFFF0, s17;
	s17 =	spop (v2sf)  }
0x93: {  	[tilespmem:s18], [sflag:$0x9] =	stream.linear.gather [hbm4b:s8+s19], $0x3C, $0x38;
	(v2sf) =	vpush v1, $0xB;
	[tilespmem:$0x1EF88] =	vst v63  }
0x94: {  	s8 =	sadd.s32 s6, s14;
	s14 =	sand.u32 $0x1FFFFFF0, s17;
	s17 =	spop (v2sf)  }
0x95: {  	[tilespmem:s7], [sflag:$0x9] =	stream.linear.gather [hbm4b:s8+s19], $0x3C, $0x38;
	(v2sf) =	vpush v1, $0xC;
	[tilespmem:$0x1EF88] =	vst v63  }
0x96: {  	s7 =	sadd.s32 s6, s14;
	s8 =	sand.u32 $0x1FFFFFF0, s17;
	s14 =	spop (v2sf)  }
0x97: {  	[tilespmem:s11], [sflag:$0x9] =	stream.linear.gather [hbm4b:s7+s19], $0x3C, $0x38;
	(v2sf) =	vpush v1, $0xD;
	[tilespmem:$0x1EF88] =	vst v63  }
0x98: {  	s7 =	sadd.s32 s6, s8;
	s8 =	sand.u32 $0x1FFFFFF0, s14;
	s11 =	spop (v2sf)  }
0x99: {  	[tilespmem:s12], [sflag:$0x9] =	stream.linear.gather [hbm4b:s7+s19], $0x3C, $0x38;
	(v2sf) =	vpush v1, $0xE;
	[tilespmem:$0x1EF88] =	vst v63  }
0x9a: {  	s7 =	sadd.s32 s6, s8;
	s8 =	sand.u32 $0x1FFFFFF0, s11;
	s11 =	spop (v2sf)  }
0x9b: {  	[tilespmem:s15], [sflag:$0x9] =	stream.linear.gather [hbm4b:s7+s19], $0x3C, $0x38;
	(v2sf) =	vpush v1, $0xF;
	[tilespmem:$0x1EF88] =	vst v63  }
0x9c: {  	s7 =	sadd.s32 s6, s8;
	s8 =	sand.u32 $0x1FFFFFF0, s11;
	s11 =	spop (v2sf)  }
0x9d: {  	[tilespmem:s10], [sflag:$0x9] =	stream.linear.gather [hbm4b:s7+s19], $0x3C, $0x38;
	[tilespmem:$0x1EF88] =	vst v63  }
0x9e: {  	s7 =	sadd.s32 s6, s8;
	s8 =	sand.u32 $0x1FFFFFF0, s11;
	s10 =	spop (v2sf)  }
0x9f: {  	[tilespmem:s9], [sflag:$0x9] =	stream.linear.gather [hbm4b:s7+s19], $0x3C, $0x38;
	[tilespmem:$0x1EF88] =	vst v63  }
0xa0: {  	s7 =	sadd.s32 s6, s8;
	s8 =	sand.u32 $0x1FFFFFF0, s10;
	s9 =	spop (v2sf)  }
0xa1: {  	[tilespmem:s16], [sflag:$0x9] =	stream.linear.gather [hbm4b:s7+s19], $0x3C, $0x38;
	[tilespmem:$0x1EF88] =	vst v63  }
0xa2: {  	s7 =	sadd.s32 s6, s8;
	s8 =	sand.u32 $0x1FFFFFF0, s9;
	s9 =	spop (v2sf)  }
0xa3: {  	[tilespmem:s3], [sflag:$0x9] =	stream.linear.gather [hbm4b:s7+s19], $0x3C, $0x38;
	[tilespmem:$0x1EF88] =	vst v63  }
0xa4: {  	s3 =	sadd.s32 s6, s8;
	s7 =	sand.u32 $0x1FFFFFF0, s9;
	s8 =	spop (v2sf)  }
0xa5: {  	[tilespmem:s2], [sflag:$0x9] =	stream.linear.gather [hbm4b:s3+s19], $0x3C, $0x38;
	[tilespmem:$0x1EF88] =	vst v63  }
0xa6: {  	s2 =	sadd.s32 s6, s7;
	s3 =	sand.u32 $0x1FFFFFF0, s8;
	s7 =	spop (v2sf)  }
0xa7: {  	[tilespmem:s5], [sflag:$0x9] =	stream.linear.gather [hbm4b:s2+s19], $0x3C, $0x38;
	[tilespmem:$0x1EF88] =	vst v63  }
0xa8: {  	s2 =	sadd.s32 s6, s3;
	s3 =	sand.u32 $0x1FFFFFF0, s7;
	s5 =	spop (v2sf)  }
0xa9: {  	[tilespmem:s4], [sflag:$0x9] =	stream.linear.gather [hbm4b:s2+s19], $0x3C, $0x38;
	[tilespmem:$0x1EF88] =	vst v63  }
0xaa: {  	s2 =	sadd.s32 s6, s3  }
.Ltmp4:
0xab: {  	s3 =	sand.u32 $0x1FFFFFF0, s5;
	s4 =	spop (v2sf);
	(pc) =	sbr.rel @p2 .LBB2_5-.Ltmp4, $4  }
0xac: {  	[tilespmem:s0], [sflag:$0x9] =	stream.linear.gather [hbm4b:s2+s19], $0x3C, $0x38;
	[tilespmem:$0x1EF88] =	vst v63  }
0xad: {  	s0 =	sadd.s32 s6, s3;
	s2 =	sadd.s32 $0xFFFFFF80, s30;
	s3 =	sand.u32 $0x1FFFFFF0, s4  }
0xae: {  	[tilespmem:s2], [sflag:$0x9] =	stream.linear.gather [hbm4b:s0+s19], $0x3C, $0x38;
	[tilespmem:$0x1EF88] =	vst v63  }
0xaf: {  	s31 =	sadd.s32 $0x10, s31;
	s30 =	sadd.s32 $0x800, s30;
	s2 =	sadd.s32 s6, s3  }
0xb0: {  	[tilespmem:s28], [sflag:$0x9] =	stream.linear.gather [hbm4b:s2+s19], $0x3C, $0x38;
	[tilespmem:$0x1EF88] =	vst v63  }
0xb1: {  	s12 =	rddreg [dreg:$0x5]  }
0xb2: {  	s14 =	rddreg [dreg:$0x6]  }
0xb3: {  	s15 =	rddreg [dreg:$0x7]  }
0xb4: {  	s17 =	rddreg [dreg:$0x8]  }
0xb5: {  	s18 =	rddreg [dreg:$0xa]  }
0xb6: {  	s22 =	rddreg [dreg:$0xb]  }
.LBB2_7:
0xb7: {  	p2 =	slt.u32 s25, $0x2  }
.Ltmp5:
0xb8: {  	_ = 	snop;
	(pc) =	sbr.rel @p2 .LBB2_25-.Ltmp5, $1  }
0xb9: {  	_ =	sdelay $0x3  }
0xba: {  	p2 =	sgt.s32 s26, $0x13740;
	s0 =	smov.u32 s26;
	s2 =	sshra.s32 s26, $0x1F  }
0xbb: {  	s0 =	simm.s32 @!p2 $0x13740;
	s2 =	sand.u32 s2, s26  }
0xbc: {  	s0 =	ssub.s32 s0, s2  }
0xbd: {  	s0 =	sadd.s32 $0xFFFEC8C0, s0  }
0xbe: {  	s3 =	simm.s32 $0x9;
	s29 =	sshll.u32 s0, $0x2  }
0xbf: {  	_ =	swait.ge [sflag:s3], $0x4B00;
	s2 =	ssub.s32 $0x500, s29  }
0xc0: {  	[sflag:s3] =	ssyncset.done $0x0;
	p2 =	sgt.s32 s0, $0x13F;
	s0 =	sshrl.u32 s2, $0x2  }
0xc1: {  	s30 =	simm.s32 $0xB;
	[sflag:s3] =	ssyncadd.s32 $0xFFFFB500;
	s0 =	simm.s32 @p2 $0x0  }
0xc2: {  	_ =	swait.ge [sflag:s30], s0  }
0xc3: {  	s0 =	ssub.s32 $0x0, s0;
	[sflag:s30] =	ssyncset.done $0x0  }
0xc4: {  	[sflag:s30] =	ssyncadd.s32 s0  }
0xc5: {  	v1 =	vld [tilespmem:$0xA108];
	_ =	sdelay $0x4  }
0xc6: {  	(v2sf) =	vpush v1, $0x0  }
0xc7: {  	(v2sf) =	vpush v1, $0x1  }
0xc8: {  	(v2sf) =	vpush v1, $0x2;
	_ =	sdelay $0x3  }
0xc9: {  	s0 =	sadd.s32 $0x140, s26  }
0xca: {  	s4 =	ssub.s32 $0x27100, s26;
	p2 =	slt.s32 s14, s0  }
0xcb: {  	s0 =	smov.u32 @p2 s14;
	p2 =	sgt.s32 s4, $0x0  }
0xcc: {  	s0 =	ssub.s32 s0, s26;
	s4 =	simm.s32 @!p2 $0x0  }
0xcd: {  	p2 =	slt.s32 s4, s0  }
0xce: {  	s0 =	smov.u32 @p2 s4  }
0xcf: {  	s2 =	simm.s32 $0x1;
	p2 =	slt.s32 s0, $0x1  }
.Ltmp6:
0xd0: {  	s2 =	simm.s32 @!p1 $0x0;
	(pc) =	sbr.rel @p2 .LBB2_12-.Ltmp6, $4  }
0xd1: {  	s7 =	smul.u32 $0x500, s2  }
0xd2: {  	s3 =	spop (v2sf)  }
0xd3: {  	s31 =	sshrl.u32 s7, $0x2;
	s5 =	spop (v2sf)  }
0xd4: {  	s28 =	sadd.s32 $0xAD08, s31;
	s26 =	spop (v2sf)  }
0xd5: {  	s4 =	smin.u32 s0, $0x10  }
0xd6: {  	v1 =	vmov s4  }
0xd7: {  	p3 =	sgt.s32 s0, $0x10;
	vm1 =	vgt.u32 v1, v0  }
.Ltmp7:
0xd8: {  	_ = 	snop;
	(pc) =	sbr.rel @!p3 .LBB2_11-.Ltmp7, $2  }
0xd9: {  	_ =	sdelay $0x2  }
0xda: {  	s9 =	simm.s32 $0x10;
	s10 =	sadd.s32 $0xFFFFFFF0, s0;
	s4 =	smov.u32 s28;
	vm0 =	vmmov vm1  }
.LBB2_10:
0xdb: {  	s7 =	smin.u32 s10, $0x10;
	s9 =	sadd.s32 $0x10, s9;
	v1 =	vld.msk [tilespmem:s4+$0x0 ss:$0x1], vm1  }
0xdc: {  	v2 =	vmov s7;
	p3 =	slt.s32 s9, s0  }
0xdd: {  	vm1 =	vgt.u32 v2, v0  }
.Ltmp8:
0xde: {  	(pc) =	sbr.rel @p3 .LBB2_10-.Ltmp8, $3  }
0xdf: {  	_ =	sdelay $0x1  }
0xe0: {  	v1 =	vshll.u32 v1, $0x4  }
0xe1: {  	s10 =	sadd.s32 $0xFFFFFFF0, s10;
	[tilespmem:s4+$0x0] =	vst.msk vm0, v1;
	s4 =	sadd.s32 $0x10, s4;
	vm0 =	vmmov vm1  }
.LBB2_11:
0xe2: {  	_ =	sdelay $0x4  }
0xe3: {  	v1 =	vld.msk [tilespmem:s4+$0x0 ss:$0x1], vm1;
	_ =	sdelay $0x4  }
0xe4: {  	v1 =	vshll.u32 v1, $0x4  }
0xe5: {  	[tilespmem:s4+$0x0] =	vst.msk vm0, v1  }
.LBB2_12:
0xe6: {  	s4 =	sand.u32 $0x1, s25  }
0xe7: {  	s4 =	smul.u32 $0x140, s4  }
0xe8: {  	p3 =	sne.s32 s5, $0xFFFFFFFF  }
0xe9: {  	v1 =	vld.msk @!p3 [tilespmem:s4+$0xAD08], $0x1;
	_ =	sdelay $0x4  }
0xea: {  	(v2sf) =	vpush @!p3 v1, $0x0;
	_ =	sdelay $0xc  }
.Ltmp9:
0xeb: {  	_ = 	snop;
	(pc) =	sbr.rel @p2 .LBB2_23-.Ltmp9, $4  }
0xec: {  	_ = 	snop  }
0xed: {  	s29 =	spop @!p3 (v2sf)  }
0xee: {  	s31 =	simm.s32 $0xC;
	s26 =	simm.s32 @!p3 $0x0;
	s4 =	smov.u32 s29  }
0xef: {  	[sflag:s31] =	ssyncpa.u1 $0x0;
	s29 =	smov.u32 @p3 s3;
	s4 =	smov.u32 @p3 s5  }
0xf0: {  	v1 =	vld.msk [tilespmem:s28+$0x0], $0x1;
	_ =	sdelay $0x4  }
0xf1: {  	(v2sf) =	vpush v1, $0x0;
	_ =	sdelay $0xe  }
0xf2: {  	s2 =	smul.u32 $0x28000, s2;
	s5 =	spop (v2sf)  }
0xf3: {  	s31 =	ssub.s32 $0x0, s0;
	p2 =	seq.s32 s29, s5  }
0xf4: {  	s3 =	smov.u32 s29;
	s2 =	sshrl.u32 s2, $0x2;
	p3 =	sgt.s32 @!p2 s29, $0x0  }
0xf5: {  	s30 =	sadd.s32 $0xAFA8, s2;
	s2 =	sadd.s32 $0x1, s31;
	p3 =	por !p3, p2  }
0xf6: {  	s3 =	simm.s32 @p3 $0x0;
	p3 =	seq.s32 s2, $0x0  }
.Ltmp10:
0xf7: {  	_ = 	snop;
	(pc) =	sbr.rel @p3 .LBB2_15-.Ltmp10, $4  }
0xf8: {  	_ = 	snop  }
0xf9: {  	s0 =	simm.s32 $0x0;
	s9 =	simm.s32 @!p2 $0x1;
	s3 =	smin.u32 @!p2 s3, $0x270F8  }
0xfa: {  	s10 =	simm.s32 @!p2 $0x50C8;
	s9 =	smov.u32 @p2 s0;
	s7 =	sand.u32 @!p2 $0x3FFF8, s3  }
0xfb: {  	s16 =	sand.u32 @!p2 $0x7, s3;
	s3 =	sadd.s32 $0x1, s28;
	s11 =	sadd.s32 @!p2 s1, s7  }
.LBB2_14:
0xfc: {  	s7 =	smov.u32 s9  }
0xfd: {  	[tilespmem:s10], [sflag:$0x2] =	stream.linear.gather @!p2 [hbm4b:s11+s16], $0x3C, $0x38;
	[tilespmem:$0x1EF88] =	vst v63  }
0xfe: {  	s2 =	sadd.s32 $0x1, s2;
	s8 =	smov.u32 s5;
	v1 =	vld.msk [tilespmem:s3+$0x0], $0x1  }
0xff: {  	p3 =	seq.s32 s2, $0x0;
	_ =	sdelay $0x3  }
0x100: {  	(v2sf) =	vpush v1, $0x0;
	_ =	sdelay $0xe  }
0x101: {  	s5 =	spop (v2sf)  }
0x102: {  	p2 =	seq.s32 s8, s5  }
0x103: {  	p4 =	sgt.s32 @!p2 s8, $0x0;
	s10 =	sshll.u32 @!p2 s9, $0x8;
	s9 =	sadd.s32 @!p2 $0x1, s9  }
.Ltmp11:
0x104: {  	p4 =	por !p4, p2;
	s10 =	sshra.s32 @!p2 s10, $0x2;
	(pc) =	sbr.rel @!p3 .LBB2_14-.Ltmp11, $4  }
0x105: {  	s9 =	smov.u32 @p2 s7;
	s8 =	simm.s32 @p4 $0x0;
	s10 =	sadd.s32 @!p2 $0x50C8, s10  }
0x106: {  	s7 =	smin.u32 @!p2 s8, $0x270F8  }
0x107: {  	s8 =	sand.u32 @!p2 $0x3FFF8, s7;
	s16 =	sand.u32 @!p2 $0x7, s7  }
0x108: {  	s3 =	sadd.s32 $0x1, s3;
	s11 =	sadd.s32 @!p2 s1, s8  }
.LBB2_15:
0x109: {  	s2 =	smul.u32 $0xF0, s9  }
0x10a: {  	[tilespmem:s10], [sflag:$0x2] =	stream.linear.gather @!p2 [hbm4b:s11+s16], $0x3C, $0x38;
	[tilespmem:$0x1EF88] =	vst v63  }
.Ltmp12:
0x10b: {  	_ = 	snop;
	(pc) =	sbr.rel .LBB2_16-.Ltmp12, $4  }
0x10c: {  	s3 =	simm.s32 $0x2;
	s2 =	sshrl.u32 s2, $0x2  }
0x10d: {  	_ =	swait.ge [sflag:s3], s2  }
0x10e: {  	s2 =	ssub.s32 $0x0, s2;
	[sflag:s3] =	ssyncset.done $0x0  }
0x10f: {  	[sflag:s3] =	ssyncadd.s32 s2;
	s3 =	simm.s32 $0x0  }
.LBB2_17:
0x110: {  	v1 =	vld [tilespmem:s30+$0xFFFFFFE0];
	_ =	sdelay $0x4  }
0x111: {  	[tilespmem:s5+$0x88] =	vst.add.f32.msk $0xffff, v1  }
0x112: {  	v1 =	vld [tilespmem:s30+$0xFFFFFFF0];
	_ =	sdelay $0x4  }
0x113: {  	[tilespmem:s5+$0x98] =	vst.add.f32.msk $0xffff, v1  }
0x114: {  	v1 =	vld [tilespmem:s30+$0x0];
	_ =	sdelay $0x4  }
0x115: {  	[tilespmem:s5+$0xA8] =	vst.add.f32.msk $0xffff, v1  }
0x116: {  	v1 =	vld.msk [tilespmem:s30+$0x10], $0xfff;
	_ =	sdelay $0x4  }
0x117: {  	[tilespmem:s5+$0xB8] =	vst.add.f32.msk $0xfff, v1  }
.LBB2_21:
0x118: {  	s31 =	sadd.s32 $0x1, s31  }
0x119: {  	p2 =	seq.s32 s31, $0x0  }
.Ltmp13:
0x11a: {  	_ = 	snop;
	(pc) =	sbr.rel @p2 .LBB2_22-.Ltmp13, $2  }
0x11b: {  	_ =	sdelay $0x2  }
0x11c: {  	s30 =	sadd.s32 $0x80, s30;
	s28 =	sadd.s32 $0x1, s28;
	s29 =	smov.u32 s2  }
.LBB2_16:
0x11d: {  	v1 =	vld.msk [tilespmem:s28+$0x0], $0x1;
	_ =	sdelay $0x4  }
0x11e: {  	(v2sf) =	vpush v1, $0x0;
	_ =	sdelay $0xe  }
0x11f: {  	s2 =	spop (v2sf)  }
0x120: {  	p2 =	sne.s32 s29, s2  }
.Ltmp14:
0x121: {  	_ = 	snop;
	(pc) =	sbr.rel @!p2 .LBB2_17-.Ltmp14, $3  }
0x122: {  	_ =	sdelay $0x1  }
0x123: {  	s5 =	sshll.u32 s26, $0x8  }
0x124: {  	s5 =	sshra.s32 s5, $0x2  }
0x125: {  	p2 =	seq.s32 s29, s4  }
.Ltmp15:
0x126: {  	_ = 	snop;
	(pc) =	sbr.rel @!p2 .LBB2_19-.Ltmp15, $1  }
0x127: {  	_ =	sdelay $0x3  }
.Ltmp16:
0x128: {  	s5 =	sadd.s32 $0x88, s5;
	(pc) =	sbr.rel .LBB2_20-.Ltmp16, $4  }
0x129: {  	[spmem:s18] =	stream.linear.scatter [tilespmem:s5], [sflag:$0x1], $0x3C, $0x38;
	[tilespmem:$0x1EF88] =	vst v63  }
0x12a: {  	_ =	swait.ge [sflag:s13], $0x3C  }
0x12b: {  	[sflag:s13] =	ssyncset.done $0x0  }
0x12c: {  	[sflag:s13] =	ssyncadd.s32 $0xFFFFFFC4  }
.LBB2_19:
0x12d: {  	s7 =	sshll.u32 s0, $0x8  }
0x12e: {  	s7 =	sshra.s32 s7, $0x2  }
0x12f: {  	v1 =	vld [tilespmem:s7+$0x50C8];
	_ =	sdelay $0x4  }
0x130: {  	[tilespmem:s5+$0x88] =	vst.add.f32.msk $0xffff, v1  }
0x131: {  	v1 =	vld [tilespmem:s7+$0x50D8];
	_ =	sdelay $0x4  }
0x132: {  	[tilespmem:s5+$0x98] =	vst.add.f32.msk $0xffff, v1  }
0x133: {  	v1 =	vld [tilespmem:s7+$0x50E8];
	_ =	sdelay $0x4  }
0x134: {  	[tilespmem:s5+$0xA8] =	vst.add.f32.msk $0xffff, v1  }
0x135: {  	v1 =	vld.msk [tilespmem:s7+$0x50F8], $0xfff;
	_ =	sdelay $0x2  }
0x136: {  	p2 =	sgt.u32 s29, $0x270F8  }
0x137: {  	s7 =	sand.u32 @!p2 $0x3FFF8, s29  }
0x138: {  	s8 =	sadd.s32 $0x88, s5;
	[tilespmem:s5+$0xB8] =	vst.add.f32.msk $0xfff, v1;
	s5 =	sadd.s32 @!p2 s1, s7;
	s7 =	sand.u32 @!p2 $0x7, s29  }
0x139: {  	[hbm4b:s5+s7] =	stream.linear.scatter @!p2 [tilespmem:s8], [sflag:$0xC], $0x3C, $0x38;
	[tilespmem:$0x1EF88] =	vst v63  }
0x13a: {  	s5 =	simm.s32 $0x0  }
0x13b: {  	s5 =	simm.s32 @!p2 $0xF0  }
0x13c: {  	s3 =	sadd.s32 s5, s3  }
.LBB2_20:
0x13d: {  	s5 =	sadd.s32 $0x1, s26  }
0x13e: {  	s7 =	smulhi.u32 $0xCCCCCCCD, s5;
	_ =	sdelay $0x1  }
0x13f: {  	v1 =	vld [tilespmem:s30+$0xFFFFFFE0];
	s7 =	sshrl.u32 s7, $0x8  }
0x140: {  	s7 =	smul.u32 $0x140, s7;
	_ =	sdelay $0x1  }
0x141: {  	s26 =	ssub.s32 s5, s7  }
0x142: {  	s5 =	sshll.u32 s26, $0x6  }
0x143: {  	[tilespmem:s5+$0x88] =	vst v1  }
0x144: {  	v1 =	vld [tilespmem:s30+$0xFFFFFFF0];
	_ =	sdelay $0x4  }
0x145: {  	[tilespmem:s5+$0x98] =	vst v1  }
0x146: {  	v1 =	vld [tilespmem:s30+$0x0];
	_ =	sdelay $0x4  }
0x147: {  	[tilespmem:s5+$0xA8] =	vst v1  }
0x148: {  	v1 =	vld.msk [tilespmem:s30+$0x10], $0xfff  }
.Ltmp17:
0x149: {  	_ = 	snop;
	(pc) =	sbr.rel .LBB2_21-.Ltmp17, $2  }
0x14a: {  	_ =	sdelay $0x2  }
0x14b: {  	s0 =	sadd.s32 $0x1, s0;
	[tilespmem:s5+$0xB8] =	vst.msk $0xfff, v1  }
.LBB2_23:
.Ltmp18:
0x14c: {  	(pc) =	sbr.rel .LBB2_24-.Ltmp18, $4  }
0x14d: {  	_ = 	snop  }
0x14e: {  	s0 =	simm.s32 $0x2  }
0x14f: {  	_ =	swait.ge [sflag:s0], $0x0  }
0x150: {  	s2 =	smov.u32 s29;
	[sflag:s0] =	ssyncset.done $0x0;
	s0 =	simm.s32 $0x0  }
.LBB2_26:
0x151: {  	_ =	sfence.sel $0x180000  }
0x152: {  	s0 =	simm.s32 $0x9;
	[bflag:$0x0] =	sbarrier.arrive $0xFFFF  }
0x153: {  	s24 =	simm.s32 $0xA;
	[sflag:s0] =	ssyncpa.u1 $0x1  }
0x154: {  	s25 =	simm.s32 $0xB;
	[sflag:s24] =	ssyncpa.u1 $0x1  }
0x155: {  	s26 =	simm.s32 $0x2;
	[sflag:s25] =	ssyncpa.u1 $0x1  }
0x156: {  	[sflag:s26] =	ssyncpa.u1 $0x1  }
0x157: {  	v0 =	vld [tilespmem:$0xA108];
	_ =	sdelay $0x4  }
0x158: {  	(v2sf) =	vpush v0, $0x0  }
0x159: {  	(v2sf) =	vpush v0, $0x1;
	_ =	sdelay $0x1  }
0x15a: {  	(v2sf) =	vpush v0, $0x2;
	_ =	sdelay $0xb  }
0x15b: {  	s0 =	spop (v2sf)  }
0x15c: {  	s2 =	spop (v2sf)  }
0x15d: {  	s3 =	smov.u32 s0;
	p0 =	sne.s32 s0, s2  }
0x15e: {  	s4 =	spop (v2sf);
	s3 =	simm.s32 @!p0 $0xFFFFFFFF  }
0x15f: {  	v2 =	vimm.s32 $0x1;
	v3 =	vlaneseq.u32;
	p0 =	seq.s32 s4, $0xFFFFFFFF;
	v1 =	vmov s3  }
0x160: {  	s14 =	stileid.u32;
	v0 =	vperm.xlane v0, v2;
	p1 =	sne.s32 @!p0 s0, s2;
	v1 =	vperm.xlane v1, v3  }
0x161: {  	vm0 =	vcmask $0x3F04;
	s6 =	simm.s32 $0xA108;
	s0 =	simm.s32 @!p0 $0x1;
	p1 =	por !p1, p0  }
0x162: {  	s3 =	sshll.u32 s14, $0x1;
	s2 =	sshll.u32 @!p0 s4, $0x8;
	s0 =	simm.s32 @p1 $0x0;
	v0 =	vsel vm0, v1, v0  }
0x163: {  	s5 =	sor.u32 $0x800, s3;
	s2 =	sshra.s32 @!p0 s2, $0x2;
	s0 =	sor.u32 @!p0 s0, s3;
	[tilespmem:$0xA108] =	vst v0  }
0x164: {  	[spmem:s5] =	stream.linear.scatter [tilespmem:s6], [sflag:$0x1], $0x2, $0x38;
	[tilespmem:$0x1EF88] =	vst v63  }
0x165: {  	s2 =	sadd.s32 @!p0 $0x88, s2;
	s0 =	sshll.u32 @!p0 s0, $0x6  }
0x166: {  	[spmem:s0] =	stream.linear.scatter @!p0 [tilespmem:s2], [sflag:$0x1], $0x40, $0x38;
	[tilespmem:$0x1EF88] =	vst v63  }
0x167: {  	s0 =	simm.s32 @!p0 $0x42  }
0x168: {  	s28 =	simm.s32 $0x1;
	s0 =	simm.s32 @p0 $0x2  }
0x169: {  	_ =	swait.ge [sflag:s28], s0  }
0x16a: {  	s0 =	ssub.s32 $0x0, s0;
	[sflag:s28] =	ssyncset.done $0x0  }
0x16b: {  	p0 =	sne.s32 s14, $0x0;
	[sflag:s28] =	ssyncadd.s32 s0  }
.Ltmp19:
0x16c: {  	_ =	sfence.stream.spmem;
	(pc) =	sbr.rel @p0 .LBB2_43-.Ltmp19, $4  }
0x16d: {  	s29 =	simm.s32 $0x3;
	[bflag:$0x0] =	sbarrier.arrive $0xFFFF  }
0x16e: {  	s30 =	simm.s32 $0x4;
	[sflag:s29] =	ssyncpa.u1 $0x1  }
0x16f: {  	s31 =	simm.s32 $0x3C;
	[sflag:s30] =	ssyncpa.u1 $0x1  }
0x170: {  	s13 =	rddreg [dreg:$0x4];
	[sflag:s31] =	ssyncpa.u1 $0x1  }
0x171: {  	_ =	sfence.stream.spmem;
	s0 =	simm.s32 $0x5  }
0x172: {  	s2 =	simm.s32 $0x800;
	s3 =	simm.s32 $0xA118;
	[sflag:s0] =	ssyncpa.u1 $0x0  }
0x173: {  	[tilespmem:s3], [sflag:$0x5] =	stream.linear.gather [spmem:s2], $0x20, $0x38;
	[tilespmem:$0x1EF88] =	vst v63  }
0x174: {  	s26 =	simm.s32 $0x0;
	s28 =	simm.s32 $0xA138  }
0x175: {  	[tilespmem:s28], [sflag:$0x5] =	stream.linear.gather [spmem:s26], $0x800, $0x38;
	[tilespmem:$0x1EF88] =	vst v63  }
0x176: {  	_ =	swait.ge [sflag:s0], $0x820  }
0x177: {  	[sflag:s0] =	ssyncset.done $0x0  }
0x178: {  	s29 =	simm.s32 $0x0;
	[sflag:s0] =	ssyncadd.s32 $0xFFFFF7E0  }
0x179: {  	v0 =	vld.msk [tilespmem:s29+$0xA118], $0x1;
	_ =	sdelay $0x1  }
0x17a: {  	s30 =	simm.s32 $0x1  }
0x17b: {  	v1 =	vld.msk [tilespmem:s30+$0xA118], $0x1;
	_ =	sdelay $0x1  }
0x17c: {  	(v2sf) =	vpush v0, $0x0;
	_ =	sdelay $0x2  }
0x17d: {  	(v2sf) =	vpush v1, $0x0;
	_ =	sdelay $0x2  }
0x17e: {  	s31 =	simm.s32 $0x2  }
0x17f: {  	v0 =	vld.msk [tilespmem:s31+$0xA118], $0x1;
	_ =	sdelay $0x2  }
0x180: {  	s2 =	simm.s32 $0xFFFFFFFF;
	s3 =	simm.s32 $0xFFFFFFFF;
	s0 =	simm.s32 $0xC  }
.LBB2_28:
0x181: {  	s4 =	smov.u32 s3;
	s5 =	smov.u32 s2  }
0x182: {  	s2 =	sshra.s32 s0, $0x2;
	p1 =	sne.s32 s0, $0x7C;
	s0 =	sadd.s32 $0x4, s0;
	(v2sf) =	vpush v0, $0x0  }
0x183: {  	v0 =	vld.msk [tilespmem:s2+$0xA118], $0x1  }
.Ltmp20:
0x184: {  	(pc) =	sbr.rel @p1 .LBB2_28-.Ltmp20, $4  }
0x185: {  	s3 =	spop (v2sf)  }
0x186: {  	p2 =	sne.s32 s5, $0xFFFFFFFF;
	s2 =	smov.u32 s3  }
0x187: {  	p3 =	seq.s32 s3, $0xFFFFFFFF;
	s2 =	smov.u32 @p2 s5  }
0x188: {  	s3 =	smov.u32 @p3 s4;
	s2 =	smov.u32 @p3 s5  }
0x189: {  	(v2sf) =	vpush v0, $0x0;
	_ =	sdelay $0x8  }
0x18a: {  	s0 =	spop (v2sf)  }
0x18b: {  	p1 =	sne.s32 s2, $0xFFFFFFFF;
	s4 =	smov.u32 s0  }
0x18c: {  	s6 =	simm.s32 $0x0;
	p2 =	seq.s32 s0, $0xFFFFFFFF;
	s4 =	smov.u32 @p1 s2  }
0x18d: {  	s9 =	simm.s32 $0xA0C8;
	s4 =	smov.u32 @p2 s2;
	s2 =	spop (v2sf)  }
0x18e: {  	s0 =	smov.u32 @p2 s3;
	p1 =	sne.s32 s4, $0xFFFFFFFF;
	s5 =	smov.u32 s2  }
.Ltmp21:
0x18f: {  	p2 =	seq.s32 s2, $0xFFFFFFFF;
	s5 =	smov.u32 @p1 s4;
	(pc) =	sbr.rel .LBB2_30-.Ltmp21, $4  }
0x190: {  	s10 =	simm.s32 $0x0;
	s5 =	smov.u32 @p2 s4;
	s7 =	spop (v2sf)  }
0x191: {  	s2 =	smov.u32 @p2 s0;
	p1 =	sne.s32 s5, $0xFFFFFFFF;
	s8 =	smov.u32 s7  }
0x192: {  	s0 =	simm.s32 $0x6;
	p2 =	seq.s32 s7, $0xFFFFFFFF;
	s8 =	smov.u32 @p1 s5  }
0x193: {  	[sflag:s0] =	ssyncpa.u1 $0x0;
	s7 =	smov.u32 @p2 s2;
	s8 =	smov.u32 @p2 s5  }
.LBB2_36:
0x194: {  	p1 =	sgt.u32 s2, $0x270F8  }
0x195: {  	p2 =	seq.s32 @!p1 s2, s8  }
0x196: {  	p1 =	por p1, p2  }
0x197: {  	p2 =	sne.s32 @!p1 s2, s7  }
0x198: {  	p1 =	por p1, !p2  }
0x199: {  	s2 =	sshll.u32 @p1 s10, $0x8  }
0x19a: {  	s3 =	sand.u32 @!p1 $0x3FFF8, s2  }
0x19b: {  	s2 =	sand.u32 @!p1 $0x7, s2;
	s3 =	sadd.s32 @!p1 s1, s3  }
0x19c: {  	[tilespmem:s9], [sflag:$0x6] =	stream.linear.gather @!p1 [hbm4b:s3+s2], $0x3C, $0x38;
	[tilespmem:$0x1EF88] =	vst v63  }
0x19d: {  	_ =	swait.ge @!p1 [sflag:s0], $0x3C  }
0x19e: {  	[sflag:s0] =	ssyncset.done @!p1 $0x0  }
0x19f: {  	[sflag:s0] =	ssyncadd.s32 @!p1 $0xFFFFFFC4  }
0x1a0: {  	v1 =	vld @!p1 [tilespmem:$0xA0C8];
	_ =	sdelay $0x2  }
0x1a1: {  	s2 =	sshll.u32 @!p1 s10, $0x8  }
0x1a2: {  	s3 =	sshrl.u32 @!p1 s2, $0x2  }
0x1a3: {  	[tilespmem:s3+$0xA138] =	vst.add.f32.msk @!p1 $0xffff, v1  }
0x1a4: {  	v1 =	vld @!p1 [tilespmem:$0xA0D8];
	_ =	sdelay $0x4  }
0x1a5: {  	[tilespmem:s3+$0xA148] =	vst.add.f32.msk @!p1 $0xffff, v1  }
0x1a6: {  	v1 =	vld @!p1 [tilespmem:$0xA0E8];
	_ =	sdelay $0x4  }
0x1a7: {  	[tilespmem:s3+$0xA158] =	vst.add.f32.msk @!p1 $0xffff, v1  }
0x1a8: {  	v1 =	vld @!p1 [tilespmem:$0xA0F8];
	_ =	sdelay $0x4  }
0x1a9: {  	[tilespmem:s3+$0xA168] =	vst.add.f32.msk @!p1 $0xffff, v1  }
0x1aa: {  	s2 =	sshrl.u32 s2, $0x2;
	[tilespmem:s6+$0xA118] =	vst.msk $0x1, v0  }
0x1ab: {  	v0 =	vld [tilespmem:s2+$0xA138];
	_ =	sdelay $0x2  }
0x1ac: {  	s31 =	sshll.u32 s6, $0x8  }
0x1ad: {  	s3 =	sshra.s32 s31, $0x2  }
0x1ae: {  	[tilespmem:s3+$0xA138] =	vst v0  }
0x1af: {  	v0 =	vld [tilespmem:s2+$0xA148];
	_ =	sdelay $0x4  }
0x1b0: {  	[tilespmem:s3+$0xA148] =	vst v0  }
0x1b1: {  	v0 =	vld [tilespmem:s2+$0xA158];
	_ =	sdelay $0x4  }
0x1b2: {  	[tilespmem:s3+$0xA158] =	vst v0  }
0x1b3: {  	v0 =	vld [tilespmem:s2+$0xA168];
	_ =	sdelay $0x4  }
0x1b4: {  	s6 =	sadd.s32 $0x1, s6;
	[tilespmem:s3+$0xA168] =	vst v0  }
.LBB2_37:
0x1b5: {  	s10 =	sadd.s32 $0x1, s10  }
0x1b6: {  	p1 =	sne.s32 s10, $0x20  }
.Ltmp22:
0x1b7: {  	_ = 	snop;
	(pc) =	sbr.rel @!p1 .LBB2_38-.Ltmp22, $1  }
0x1b8: {  	_ =	sdelay $0x3  }
.LBB2_30:
0x1b9: {  	v0 =	vld.msk [tilespmem:s10+$0xA118], $0x1;
	_ =	sdelay $0x4  }
0x1ba: {  	(v2sf) =	vpush v0, $0x0;
	_ =	sdelay $0xe  }
0x1bb: {  	s2 =	spop (v2sf)  }
0x1bc: {  	p1 =	seq.s32 s2, $0xFFFFFFFF  }
.Ltmp23:
0x1bd: {  	_ = 	snop;
	(pc) =	sbr.rel @p1 .LBB2_37-.Ltmp23, $1  }
0x1be: {  	_ =	sdelay $0x3  }
0x1bf: {  	p1 =	slt.s32 s6, $0x1  }
.Ltmp24:
0x1c0: {  	_ = 	snop;
	(pc) =	sbr.rel @p1 .LBB2_36-.Ltmp24, $1  }
0x1c1: {  	_ =	sdelay $0x3  }
0x1c2: {  	s3 =	simm.s32 $0xA118;
	p1 =	por $0x0, $0x0  }
0x1c3: {  	v1 =	vld.msk @!p1 [tilespmem:s3+$0x0], $0x1;
	_ =	sdelay $0x4  }
0x1c4: {  	(v2sf) =	vpush @!p1 v1, $0x0;
	_ =	sdelay $0xd  }
0x1c5: {  	p3 =	sne.s32 s6, $0x1  }
.Ltmp25:
0x1c6: {  	s4 =	spop @!p1 (v2sf);
	(pc) =	sbr.rel @!p3 .LBB2_34-.Ltmp25, $4  }
0x1c7: {  	p2 =	seq.s32 @!p1 s2, s4  }
0x1c8: {  	s4 =	simm.s32 $0x0;
	p2 =	por !p2, p1  }
0x1c9: {  	s11 =	simm.s32 $0xFFFFFFFF;
	s4 =	simm.s32 @p2 $0xFFFFFFFF  }
0x1ca: {  	s5 =	simm.s32 $0x1;
	s4 =	smov.u32 @p1 s11  }
.LBB2_33:
0x1cb: {  	s11 =	smov.u32 s4;
	p1 =	sne.s32 s4, $0xFFFFFFFF  }
0x1cc: {  	s3 =	sadd.s32 $0x1, s3;
	s4 =	smov.u32 s5;
	s5 =	sadd.s32 $0x1, s5  }
0x1cd: {  	p2 =	sne.s32 s6, s5;
	v1 =	vld.msk @!p1 [tilespmem:s3+$0x0], $0x1;
	_ =	sdelay $0x4  }
0x1ce: {  	(v2sf) =	vpush @!p1 v1, $0x0;
	_ =	sdelay $0xe  }
.Ltmp26:
0x1cf: {  	s12 =	spop @!p1 (v2sf);
	(pc) =	sbr.rel @p2 .LBB2_33-.Ltmp26, $4  }
0x1d0: {  	p3 =	seq.s32 @!p1 s2, s12  }
0x1d1: {  	p3 =	por !p3, p1  }
0x1d2: {  	s4 =	simm.s32 @p3 $0xFFFFFFFF  }
0x1d3: {  	s4 =	smov.u32 @p1 s11  }
.LBB2_34:
0x1d4: {  	p1 =	seq.s32 s4, $0xFFFFFFFF  }
.Ltmp27:
0x1d5: {  	_ = 	snop;
	(pc) =	sbr.rel @p1 .LBB2_36-.Ltmp27, $1  }
0x1d6: {  	_ =	sdelay $0x3  }
0x1d7: {  	s2 =	sshll.u32 s10, $0x6  }
0x1d8: {  	s2 =	sand.u32 $0x3FFFFFC0, s2  }
0x1d9: {  	v0 =	vld [tilespmem:s2+$0xA138];
	_ =	sdelay $0x2  }
0x1da: {  	s3 =	sshll.u32 s4, $0x8  }
0x1db: {  	s3 =	sshra.s32 s3, $0x2  }
0x1dc: {  	[tilespmem:s3+$0xA138] =	vst.add.f32.msk $0xffff, v0  }
0x1dd: {  	v0 =	vld [tilespmem:s2+$0xA148];
	_ =	sdelay $0x4  }
0x1de: {  	[tilespmem:s3+$0xA148] =	vst.add.f32.msk $0xffff, v0  }
0x1df: {  	v0 =	vld [tilespmem:s2+$0xA158];
	_ =	sdelay $0x4  }
0x1e0: {  	[tilespmem:s3+$0xA158] =	vst.add.f32.msk $0xffff, v0  }
0x1e1: {  	v0 =	vld [tilespmem:s2+$0xA168]  }
.Ltmp28:
0x1e2: {  	_ = 	snop;
	(pc) =	sbr.rel .LBB2_37-.Ltmp28, $2  }
0x1e3: {  	_ =	sdelay $0x2  }
0x1e4: {  	[tilespmem:s3+$0xA168] =	vst.add.f32.msk $0xffff, v0  }
.LBB2_38:
0x1e5: {  	s0 =	simm.s32 $0x6;
	p1 =	seq.s32 s6, $0x0  }
0x1e6: {  	[sflag:s0] =	ssyncpa.u1 $0x1;
	v0 =	vimm.s32 @p1 $0xFFFFFFFF  }
0x1e7: {  	s0 =	sadd.s32 $0xFFFFFFFF, s6;
	[tilespmem:$0xA938] =	vst @p1 v0  }
0x1e8: {  	v0 =	vld.msk @!p1 [tilespmem:s0+$0xA118], $0x1;
	_ =	sdelay $0x1  }
0x1e9: {  	v1 =	vld.msk @!p1 [tilespmem:$0xA118], $0x1;
	_ =	sdelay $0x2  }
0x1ea: {  	p2 =	seq.s32 @!p1 s0, $0x0;
	v0 =	vbroadcast @!p1 v0, $0x0  }
0x1eb: {  	vm0 =	vmmov @!p1 $0x1;
	p2 =	por !p2, p1  }
0x1ec: {  	v1 =	vnsel @!p1 vm0, $0xFFFFFFFF, v1;
	vm0 =	vcmask @!p1 $0x308;
	v0 =	vpsel !p2, $0xFFFFFFFF, v0  }
0x1ed: {  	p2 =	sne.s32 @!p1 s8, s7;
	v0 =	vsel @!p1 vm0, v1, v0  }
0x1ee: {  	s2 =	simm.s32 @!p1 $0xA138;
	s3 =	simm.s32 @!p1 $0x0;
	p3 =	por !p2, p1;
	[tilespmem:$0xA938] =	vst @!p1 v0  }
0x1ef: {  	[spmem:s3] =	stream.linear.scatter @!p1 [tilespmem:s2], [sflag:$0x1], $0x40, $0x38;
	[tilespmem:$0x1EF88] =	vst v63  }
0x1f0: {  	s2 =	sshll.u32 @!p3 s0, $0x8  }
0x1f1: {  	s2 =	sshra.s32 @!p3 s2, $0x2  }
0x1f2: {  	s3 =	simm.s32 @!p3 $0x40;
	s2 =	sadd.s32 @!p3 $0xA138, s2  }
0x1f3: {  	[spmem:s3] =	stream.linear.scatter @!p3 [tilespmem:s2], [sflag:$0x1], $0x40, $0x38;
	[tilespmem:$0x1EF88] =	vst v63  }
0x1f4: {  	s2 =	simm.s32 @!p3 $0x1  }
0x1f5: {  	_ =	swait.ge @!p3 [sflag:s2], $0x80  }
0x1f6: {  	p1 =	por p2, p1;
	[sflag:s2] =	ssyncset.done @!p3 $0x0  }
0x1f7: {  	[sflag:s2] =	ssyncadd.s32 @!p3 $0xFFFFFF80;
	s2 =	simm.s32 @!p1 $0x1  }
0x1f8: {  	_ =	swait.ge @!p1 [sflag:s2], $0x40  }
0x1f9: {  	s29 =	simm.s32 $0xA938;
	[sflag:s2] =	ssyncset.done @!p1 $0x0  }
0x1fa: {  	s30 =	simm.s32 $0x800;
	s31 =	simm.s32 $0x1;
	[sflag:s2] =	ssyncadd.s32 @!p1 $0xFFFFFFC0  }
0x1fb: {  	[spmem:s30] =	stream.linear.scatter [tilespmem:s29], [sflag:$0x1], $0x10, $0x38;
	[tilespmem:$0x1EF88] =	vst v63  }
0x1fc: {  	_ =	swait.ge [sflag:s31], $0x10  }
0x1fd: {  	[sflag:s31] =	ssyncset.done $0x0  }
0x1fe: {  	p1 =	seq.s32 s13, $0x0;
	s9 =	rddreg [dreg:$0x1];
	[sflag:s31] =	ssyncadd.s32 $0xFFFFFFF0  }
0x1ff: {  	s3 =	sshll.u32 @p1 s9, $0xE;
	s8 =	rddreg [dreg:$0x2]  }
0x200: {  	s2 =	sadd.s32 @p1 $0x15C3C, s3;
	s3 =	sshll.u32 @p1 s8, $0x11  }
0x201: {  	_ =	sfence.stream.spmem;
	s2 =	sor.u32 @p1 s3, s2  }
0x202: {  	[sflag:s2] =	ssyncadd.remote.s32 @p1 $0x1;
	s2 =	simm.s32 @p1 $0x4  }
0x203: {  	s4 =	simm.s32 @!p1 $0x3C;
	s3 =	sand.u32 $0xFFFFFFFE, s9;
	_ =	swait.ge @p1 [sflag:s2], $0x12  }
0x204: {  	s5 =	simm.s32 @!p1 $0x0;
	s3 =	sadd.s32 @!p1 $0x4, s3;
	[sflag:s2] =	ssyncset.done @p1 $0x0  }
0x205: {  	s7 =	simm.s32 @!p1 $0x80;
	[sflag:s2] =	ssyncadd.s32 @p1 $0xFFFFFFEE;
	s2 =	sshll.u32 @!p1 s3, $0x1A  }
0x206: {  	s3 =	sshll.u32 @!p1 s3, $0xD;
	s2 =	sor.u32 @!p1 s2, s8;
	_ =	swait.eq @!p1 [sflag:s4], $0x1  }
0x207: {  	s3 =	sor.u32 @!p1 $0x1C04, s3;
	s4 =	simm.s32 @!p1 $0x1C03;
	s2 =	sor.u32 @!p1 $0x80004000, s2  }
0x208: {  	[spmem:s7], [sflag:s3] =	dma.general @!p1 [spmem:s5], [sflag:s4], length:$0x10, [dreg:$0x0], stride_count:$0x0, ici_dest:s2, dma_misc:DstOpCode:WRITE  }
0x209: {  	p2 =	slt.s32 s0, $0x2;
	s5 =	simm.s32 @!p1 $0x100;
	s7 =	simm.s32 @!p1 $0x102  }
0x20a: {  	[spmem:s7], [sflag:s3] =	dma.general @!p1 [spmem:s5], [sflag:s4], length:$0x2, [dreg:$0x0], stride_count:$0x0, ici_dest:s2, dma_misc:DstOpCode:WRITE  }
.Ltmp29:
0x20b: {  	s2 =	simm.s32 @!p1 $0x3;
	(pc) =	sbr.rel @p2 .LBB2_42-.Ltmp29, $4  }
0x20c: {  	s3 =	sshll.u32 @!p1 s9, $0xE;
	_ =	swait.ge @!p1 [sflag:s2], $0x12  }
0x20d: {  	s4 =	sshll.u32 @!p1 s8, $0x11;
	s3 =	sadd.s32 @!p1 $0x11C3C, s3;
	[sflag:s2] =	ssyncset.done @!p1 $0x0  }
0x20e: {  	[sflag:s2] =	ssyncadd.s32 @!p1 $0xFFFFFFEE;
	s2 =	sor.u32 @!p1 s4, s3  }
0x20f: {  	s0 =	simm.s32 $0x0;
	[sflag:s2] =	ssyncadd.remote.s32 @!p1 $0xFFFFFFFF  }
0x210: {  	s0 =	simm.s32 $0xA119  }
0x211: {  	v0 =	vld.msk [tilespmem:s0+$0x0], $0x1;
	_ =	sdelay $0x4  }
0x212: {  	(v2sf) =	vpush v0, $0x0;
	_ =	sdelay $0xc  }
0x213: {  	s2 =	sadd.s32 $0xFFFFFFFE, s6  }
0x214: {  	s2 =	sadd.s32 $0xFFFFFFFF, s2  }
0x215: {  	p2 =	sne.s32 s2, $0x0;
	s3 =	spop (v2sf)  }
.Ltmp30:
0x216: {  	p1 =	sgt.u32 s3, $0x270F8;
	(pc) =	sbr.rel @!p2 .LBB2_41-.Ltmp30, $4  }
0x217: {  	s5 =	simm.s32 $0x0;
	s4 =	sand.u32 @!p1 $0x3FFF8, s3  }
0x218: {  	s0 =	simm.s32 $0xA178;
	s3 =	sand.u32 @!p1 $0x7, s3;
	s4 =	sadd.s32 @!p1 s1, s4  }
0x219: {  	[hbm4b:s4+s3] =	stream.linear.scatter @!p1 [tilespmem:s0], [sflag:$0x5], $0x3C, $0x38;
	[tilespmem:$0x1EF88] =	vst v63  }
0x21a: {  	s5 =	simm.s32 @!p1 $0xF0;
	s3 =	simm.s32 $0x0;
	s4 =	simm.s32 $0xA11A  }
.LBB2_40:
0x21b: {  	v0 =	vld.msk [tilespmem:s4+$0x0], $0x1;
	s2 =	sadd.s32 $0xFFFFFFFF, s2;
	s3 =	sadd.s32 s3, s5  }
0x21c: {  	p1 =	sne.s32 s2, $0x0;
	_ =	sdelay $0x3  }
0x21d: {  	(v2sf) =	vpush v0, $0x0;
	_ =	sdelay $0xe  }
.Ltmp31:
0x21e: {  	s6 =	spop (v2sf);
	(pc) =	sbr.rel @p1 .LBB2_40-.Ltmp31, $4  }
0x21f: {  	s5 =	simm.s32 $0x0;
	p2 =	sgt.u32 s6, $0x270F8  }
0x220: {  	s0 =	sadd.s32 $0x40, s0;
	s5 =	simm.s32 @!p2 $0xF0;
	s7 =	sand.u32 @!p2 $0x3FFF8, s6  }
0x221: {  	s4 =	sadd.s32 $0x1, s4;
	s6 =	sand.u32 @!p2 $0x7, s6;
	s7 =	sadd.s32 @!p2 s1, s7  }
0x222: {  	[hbm4b:s7+s6] =	stream.linear.scatter @!p2 [tilespmem:s0], [sflag:$0x5], $0x3C, $0x38;
	[tilespmem:$0x1EF88] =	vst v63  }
.LBB2_41:
0x223: {  	s0 =	sadd.s32 s3, s5  }
0x224: {  	s0 =	sshrl.u32 s0, $0x2  }
.LBB2_42:
0x225: {  	s2 =	simm.s32 $0x5  }
0x226: {  	_ =	swait.ge [sflag:s2], s0  }
0x227: {  	s31 =	ssub.s32 $0x0, s0;
	[sflag:s2] =	ssyncset.done $0x0  }
0x228: {  	[sflag:s2] =	ssyncadd.s32 s31  }
0x229: {  	[sflag:s2] =	ssyncpa.u1 $0x1  }
.LBB2_43:
0x22a: {  	s0 =	sor.u32 s13, s14  }
0x22b: {  	p1 =	sne.s32 s0, $0x0  }
.Ltmp32:
0x22c: {  	_ = 	snop;
	(pc) =	sbr.rel @p1 .LBB2_58-.Ltmp32, $3  }
0x22d: {  	_ =	sdelay $0x1  }
0x22e: {  	[bflag:$0x0] =	sbarrier.arrive $0xFFFF  }
0x22f: {  	_ =	sfence  }
0x230: {  	s2 =	simm.s32 $0x7  }
0x231: {  	s0 =	simm.s32 $0x800;
	s3 =	simm.s32 $0xA118;
	[sflag:s2] =	ssyncpa.u1 $0x0  }
0x232: {  	[tilespmem:s3], [sflag:$0x7] =	stream.linear.gather [spmem:s0], $0x20, $0x38;
	[tilespmem:$0x1EF88] =	vst v63  }
0x233: {  	s30 =	simm.s32 $0xA138;
	s0 =	simm.s32 $0x0  }
0x234: {  	[tilespmem:s30], [sflag:$0x7] =	stream.linear.gather [spmem:s0], $0x800, $0x38;
	[tilespmem:$0x1EF88] =	vst v63  }
.Ltmp33:
0x235: {  	_ = 	snop;
	(pc) =	sbr.rel .LBB2_45-.Ltmp33, $4  }
0x236: {  	_ =	swait.ge [sflag:s2], $0x820  }
0x237: {  	[sflag:s2] =	ssyncset.done $0x0  }
0x238: {  	s31 =	simm.s32 $0x8;
	[sflag:s2] =	ssyncadd.s32 $0xFFFFF7E0  }
0x239: {  	s2 =	simm.s32 $0x0;
	[sflag:s31] =	ssyncpa.u1 $0x0  }
.LBB2_51:
0x23a: {  	p1 =	slt.u32 s3, $0x270F9  }
0x23b: {  	s4 =	sand.u32 @p1 $0x3FFF8, s3  }
0x23c: {  	s3 =	sand.u32 @p1 $0x7, s3;
	s5 =	simm.s32 @p1 $0xA0C8;
	s4 =	sadd.s32 @p1 s1, s4  }
0x23d: {  	[tilespmem:s5], [sflag:$0x8] =	stream.linear.gather @p1 [hbm4b:s4+s3], $0x3C, $0x38;
	[tilespmem:$0x1EF88] =	vst v63  }
0x23e: {  	s3 =	simm.s32 @p1 $0x8  }
0x23f: {  	_ =	swait.ge @p1 [sflag:s3], $0x3C  }
0x240: {  	[sflag:s3] =	ssyncset.done @p1 $0x0  }
0x241: {  	[sflag:s3] =	ssyncadd.s32 @p1 $0xFFFFFFC4  }
0x242: {  	v1 =	vld @p1 [tilespmem:$0xA0C8];
	_ =	sdelay $0x2  }
0x243: {  	s3 =	sshll.u32 @p1 s2, $0x8  }
0x244: {  	s4 =	sshrl.u32 @p1 s3, $0x2  }
0x245: {  	[tilespmem:s4+$0xA138] =	vst.add.f32.msk @p1 $0xffff, v1  }
0x246: {  	v1 =	vld @p1 [tilespmem:$0xA0D8];
	_ =	sdelay $0x4  }
0x247: {  	[tilespmem:s4+$0xA148] =	vst.add.f32.msk @p1 $0xffff, v1  }
0x248: {  	v1 =	vld @p1 [tilespmem:$0xA0E8];
	_ =	sdelay $0x4  }
0x249: {  	[tilespmem:s4+$0xA158] =	vst.add.f32.msk @p1 $0xffff, v1  }
0x24a: {  	v1 =	vld @p1 [tilespmem:$0xA0F8];
	_ =	sdelay $0x3  }
0x24b: {  	s5 =	sshll.u32 @!p1 s2, $0x8  }
0x24c: {  	s5 =	smov.u32 @p1 s3;
	[tilespmem:s4+$0xA168] =	vst.add.f32.msk @p1 $0xffff, v1  }
0x24d: {  	s3 =	sshrl.u32 s5, $0x2;
	[tilespmem:s0+$0xA118] =	vst.msk $0x1, v0  }
0x24e: {  	v0 =	vld [tilespmem:s3+$0xA138];
	_ =	sdelay $0x2  }
0x24f: {  	s31 =	sshll.u32 s0, $0x8  }
0x250: {  	s4 =	sshra.s32 s31, $0x2  }
0x251: {  	[tilespmem:s4+$0xA138] =	vst v0  }
0x252: {  	v0 =	vld [tilespmem:s3+$0xA148];
	_ =	sdelay $0x4  }
0x253: {  	[tilespmem:s4+$0xA148] =	vst v0  }
0x254: {  	v0 =	vld [tilespmem:s3+$0xA158];
	_ =	sdelay $0x4  }
0x255: {  	[tilespmem:s4+$0xA158] =	vst v0  }
0x256: {  	v0 =	vld [tilespmem:s3+$0xA168];
	_ =	sdelay $0x4  }
0x257: {  	s0 =	sadd.s32 $0x1, s0;
	[tilespmem:s4+$0xA168] =	vst v0  }
.LBB2_52:
0x258: {  	s2 =	sadd.s32 $0x1, s2  }
0x259: {  	p1 =	sne.s32 s2, $0x20  }
.Ltmp34:
0x25a: {  	_ = 	snop;
	(pc) =	sbr.rel @!p1 .LBB2_53-.Ltmp34, $1  }
0x25b: {  	_ =	sdelay $0x3  }
.LBB2_45:
0x25c: {  	v0 =	vld.msk [tilespmem:s2+$0xA118], $0x1;
	_ =	sdelay $0x4  }
0x25d: {  	(v2sf) =	vpush v0, $0x0;
	_ =	sdelay $0xe  }
0x25e: {  	s3 =	spop (v2sf)  }
0x25f: {  	p1 =	seq.s32 s3, $0xFFFFFFFF  }
.Ltmp35:
0x260: {  	_ = 	snop;
	(pc) =	sbr.rel @p1 .LBB2_52-.Ltmp35, $1  }
0x261: {  	_ =	sdelay $0x3  }
0x262: {  	p1 =	slt.s32 s0, $0x1  }
.Ltmp36:
0x263: {  	_ = 	snop;
	(pc) =	sbr.rel @p1 .LBB2_51-.Ltmp36, $1  }
0x264: {  	_ =	sdelay $0x3  }
0x265: {  	s4 =	simm.s32 $0xA118;
	p1 =	por $0x0, $0x0  }
0x266: {  	v1 =	vld.msk @!p1 [tilespmem:s4+$0x0], $0x1;
	_ =	sdelay $0x4  }
0x267: {  	(v2sf) =	vpush @!p1 v1, $0x0;
	_ =	sdelay $0xd  }
0x268: {  	p3 =	sne.s32 s0, $0x1  }
.Ltmp37:
0x269: {  	s5 =	spop @!p1 (v2sf);
	(pc) =	sbr.rel @!p3 .LBB2_49-.Ltmp37, $4  }
0x26a: {  	p2 =	seq.s32 @!p1 s3, s5  }
0x26b: {  	s5 =	simm.s32 $0x0;
	p2 =	por !p2, p1  }
0x26c: {  	s7 =	simm.s32 $0xFFFFFFFF;
	s5 =	simm.s32 @p2 $0xFFFFFFFF  }
0x26d: {  	s6 =	simm.s32 $0x1;
	s5 =	smov.u32 @p1 s7  }
.LBB2_48:
0x26e: {  	s7 =	smov.u32 s5;
	p1 =	sne.s32 s5, $0xFFFFFFFF  }
0x26f: {  	s4 =	sadd.s32 $0x1, s4;
	s5 =	smov.u32 s6;
	s6 =	sadd.s32 $0x1, s6  }
0x270: {  	p2 =	sne.s32 s0, s6;
	v1 =	vld.msk @!p1 [tilespmem:s4+$0x0], $0x1;
	_ =	sdelay $0x4  }
0x271: {  	(v2sf) =	vpush @!p1 v1, $0x0;
	_ =	sdelay $0xe  }
.Ltmp38:
0x272: {  	s8 =	spop @!p1 (v2sf);
	(pc) =	sbr.rel @p2 .LBB2_48-.Ltmp38, $4  }
0x273: {  	p3 =	seq.s32 @!p1 s3, s8  }
0x274: {  	p3 =	por !p3, p1  }
0x275: {  	s5 =	simm.s32 @p3 $0xFFFFFFFF  }
0x276: {  	s5 =	smov.u32 @p1 s7  }
.LBB2_49:
0x277: {  	p1 =	seq.s32 s5, $0xFFFFFFFF  }
.Ltmp39:
0x278: {  	_ = 	snop;
	(pc) =	sbr.rel @p1 .LBB2_51-.Ltmp39, $1  }
0x279: {  	_ =	sdelay $0x3  }
0x27a: {  	s3 =	sshll.u32 s2, $0x6  }
0x27b: {  	s3 =	sand.u32 $0x3FFFFFC0, s3  }
0x27c: {  	v0 =	vld [tilespmem:s3+$0xA138];
	_ =	sdelay $0x2  }
0x27d: {  	s4 =	sshll.u32 s5, $0x8  }
0x27e: {  	s4 =	sshra.s32 s4, $0x2  }
0x27f: {  	[tilespmem:s4+$0xA138] =	vst.add.f32.msk $0xffff, v0  }
0x280: {  	v0 =	vld [tilespmem:s3+$0xA148];
	_ =	sdelay $0x4  }
0x281: {  	[tilespmem:s4+$0xA148] =	vst.add.f32.msk $0xffff, v0  }
0x282: {  	v0 =	vld [tilespmem:s3+$0xA158];
	_ =	sdelay $0x4  }
0x283: {  	[tilespmem:s4+$0xA158] =	vst.add.f32.msk $0xffff, v0  }
0x284: {  	v0 =	vld [tilespmem:s3+$0xA168]  }
.Ltmp40:
0x285: {  	_ = 	snop;
	(pc) =	sbr.rel .LBB2_52-.Ltmp40, $2  }
0x286: {  	_ =	sdelay $0x2  }
0x287: {  	[tilespmem:s4+$0xA168] =	vst.add.f32.msk $0xffff, v0  }
.LBB2_53:
0x288: {  	p1 =	slt.s32 s0, $0x1  }
.Ltmp41:
0x289: {  	_ = 	snop;
	(pc) =	sbr.rel @p1 .LBB2_57-.Ltmp41, $3  }
0x28a: {  	_ =	sdelay $0x1  }
0x28b: {  	s2 =	simm.s32 $0x8  }
0x28c: {  	[sflag:s2] =	ssyncpa.u1 $0x1;
	s2 =	simm.s32 $0x0  }
0x28d: {  	s3 =	simm.s32 $0xA118  }
0x28e: {  	v0 =	vld.msk [tilespmem:s3+$0x0], $0x1;
	_ =	sdelay $0x4  }
0x28f: {  	(v2sf) =	vpush v0, $0x0;
	_ =	sdelay $0xe  }
0x290: {  	s0 =	sadd.s32 $0xFFFFFFFF, s0;
	s4 =	spop (v2sf)  }
0x291: {  	p2 =	sne.s32 s0, $0x0;
	p1 =	sgt.u32 s4, $0x270F8  }
.Ltmp42:
0x292: {  	s5 =	sand.u32 @!p1 $0x3FFF8, s4;
	(pc) =	sbr.rel @!p2 .LBB2_56-.Ltmp42, $4  }
0x293: {  	s3 =	simm.s32 $0xA138;
	s4 =	sand.u32 @!p1 $0x7, s4;
	s5 =	sadd.s32 @!p1 s1, s5  }
0x294: {  	[hbm4b:s5+s4] =	stream.linear.scatter @!p1 [tilespmem:s3], [sflag:$0x7], $0x3C, $0x38;
	[tilespmem:$0x1EF88] =	vst v63  }
0x295: {  	s5 =	simm.s32 $0x0  }
0x296: {  	s4 =	simm.s32 $0xA119;
	s5 =	simm.s32 @!p1 $0xF0  }
.LBB2_55:
0x297: {  	v0 =	vld.msk [tilespmem:s4+$0x0], $0x1;
	s0 =	sadd.s32 $0xFFFFFFFF, s0;
	s2 =	sadd.s32 s2, s5  }
0x298: {  	p1 =	sne.s32 s0, $0x0;
	_ =	sdelay $0x3  }
0x299: {  	(v2sf) =	vpush v0, $0x0;
	_ =	sdelay $0xe  }
.Ltmp43:
0x29a: {  	s6 =	spop (v2sf);
	(pc) =	sbr.rel @p1 .LBB2_55-.Ltmp43, $4  }
0x29b: {  	s5 =	simm.s32 $0x0;
	p2 =	sgt.u32 s6, $0x270F8  }
0x29c: {  	s3 =	sadd.s32 $0x40, s3;
	s5 =	simm.s32 @!p2 $0xF0;
	s7 =	sand.u32 @!p2 $0x3FFF8, s6  }
0x29d: {  	s4 =	sadd.s32 $0x1, s4;
	s6 =	sand.u32 @!p2 $0x7, s6;
	s7 =	sadd.s32 @!p2 s1, s7  }
0x29e: {  	[hbm4b:s7+s6] =	stream.linear.scatter @!p2 [tilespmem:s3], [sflag:$0x7], $0x3C, $0x38;
	[tilespmem:$0x1EF88] =	vst v63  }
.LBB2_56:
0x29f: {  	s0 =	sadd.s32 s2, s5  }
0x2a0: {  	s2 =	sshrl.u32 s0, $0x2  }
.LBB2_57:
0x2a1: {  	s0 =	simm.s32 $0x7  }
0x2a2: {  	_ =	swait.ge [sflag:s0], s2  }
0x2a3: {  	s1 =	ssub.s32 $0x0, s2;
	[sflag:s0] =	ssyncset.done $0x0  }
0x2a4: {  	[sflag:s0] =	ssyncadd.s32 s1  }
0x2a5: {  	[sflag:s0] =	ssyncpa.u1 $0x1  }
.LBB2_58:
0x2a6: {  	_ =	sfence;
	s0 =	simm.s32 $0x1  }
0x2a7: {  	[sflag:s0] =	ssyncpa.u1 $0x1  }
0x2a8: {  	_ =	strace $0x9000004D  }
0x2a9: {  	[bflag:$0x2] =	sbarrier.arrive $0xFFFF  }
0x2aa: {  	s0 =	rddreg [dreg:$0x3]  }
0x2ab: {  	s0 =	sadd.s32 @!p0 $0x100000, s0  }
0x2ac: {  	[sflag:s0] =	ssyncadd.tile.s32 @!p0 $0x1;
	_ =	shalt  }
.Lfunc_end2:
_tile_overlayer_lowered:
.L_overlay_start_2:
0x2ad: {  	(tag) =	ssettag $0x2  }
0x2ae: {  	s0 =	rddreg [dreg:$0x0];
	s2 =	stileid.u32  }
0x2af: {  	s1 =	rddreg [dreg:$0x1];
	p0 =	sne.s32 s2, $0x0  }
0x2b0: {  	s3 =	rddreg [dreg:$0x2];
	[bflag:$0x3] =	sbarrier.arrive $0xFFFF;
	s2 =	simm.s32 @!p0 $0x1C01  }
0x2b1: {  	[timem:s3], [sflag:s2] =	dma.local @!p0 [hbm:s0], s1  }
0x2b2: {  	s0 =	simm.s32 @!p0 $0x1  }
0x2b3: {  	_ =	swait.ge @!p0 [sflag:s0], s1  }
0x2b4: {  	s1 =	ssub.s32 @!p0 $0x0, s1;
	[sflag:s0] =	ssyncset.done @!p0 $0x0  }
0x2b5: {  	[sflag:s0] =	ssyncadd.s32 @!p0 s1  }
0x2b6: {  	[bflag:$0x3] =	sbarrier.arrive $0xFFFF  }
0x2b7: {  	_ =	shalt  }

// kernel: scatter_offload_async_start
scs
__scs_entry_jumppad:
0x0: {  	(pc) =	sbr.rel $0x88, $3  }
0x1: {  	(tag) =	ssettag $0x0;
	lr =	simm.s32 $0x1  }
0x2: {  	[smem:$0x3F97] =	sst lr;
	_ =	strace $0xD0000000  }
0x3: {  	_ = 	snop  }
0x4: {  	_ = 	snop  }
0x5: {  	_ = 	snop  }
0x6: {  	_ = 	snop  }
0x7: {  	_ = 	snop  }
__scs_overlays_trampoline_lowered:
0x8: {  	[smem:$0x3FA6] =	sst s0  }
0x9: {  	[smem:$0x3FA7] =	sst s1  }
0xa: {  	[smem:$0x3FA8] =	sst s2  }
0xb: {  	[smem:$0x3FA9] =	sst s3  }
0xc: {  	[smem:$0x3FAA] =	sst s4  }
0xd: {  	[smem:$0x3FAB] =	sst s5  }
0xe: {  	[smem:$0x3FAC] =	sst s6  }
0xf: {  	[smem:$0x3FAD] =	sst s7  }
0x10: {  	[smem:$0x3FAE] =	sst s8  }
0x11: {  	[smem:$0x3FAF] =	sst s9;
	s0 =	simm.s32 @!p0 $0x0  }
0x12: {  	s1 =	sld [smem:$0x3F95];
	s0 =	simm.s32 @p0 $0x1  }
0x13: {  	[smem:$0x3FB0] =	sst s0;
	s0 =	simm.s32 @!p1 $0x0  }
0x14: {  	s2 =	sld [smem:$0x3F94];
	s0 =	simm.s32 @p1 $0x1  }
0x15: {  	[smem:$0x3FB1] =	sst s0;
	s0 =	simm.s32 @!p2 $0x0  }
0x16: {  	s3 =	sld [smem:$0x3FDB];
	s0 =	simm.s32 @p2 $0x1  }
0x17: {  	s4 =	simm.s32 $0x1BF5;
	[smem:$0x3FB3] =	sst s0  }
0x18: {  	s0 =	sld [smem:$0x3F96];
	_ =	swait.ge [sflag:s4], $0x0  }
0x19: {  	s7 =	sld [smem:$0x3F97]  }
0x1a: {  	s8 =	sadd.s32 $0xFFFFE003, lr  }
0x1b: {  	s9 =	sadd.s32 $0xFFFFFEF7, lr;
	s5 =	simm.s32 $0xFFFFFFFF;
	p2 =	slt.u32 s8, $0xFFFFF086  }
0x1c: {  	p1 =	slt.u32 s9, $0xF7A;
	s5 =	simm.s32 @!p2 $0x0  }
0x1d: {  	s5 =	simm.s32 @p1 $0x1;
	p0 =	seq.s32 s7, s2  }
0x1e: {  	s7 =	smul.u32 @!p0 $0xF7A, s2;
	p2 =	seq.s32 @!p0 s5, $0x0  }
0x1f: {  	s9 =	smul.u32 $0xF7A, s1;
	s8 =	simm.s32 @!p0 $0x1BF5;
	p2 =	por !p2, p0  }
0x20: {  	[sflag:s8] =	ssyncset.s32 @!p0 $0xFFFFF086;
	s6 =	sadd.s32 @!p0 s3, s7;
	s7 =	simm.s32 @!p0 $0x108  }
0x21: {  	s3 =	sadd.s32 s3, s9;
	s6 =	sadd.s32 @!p0 $0x88, s6;
	s7 =	simm.s32 @p2 $0x1082  }
0x22: {  	[simem:s7], [sflag:s8] =	dma.local @!p0 [hbm:s6], $0xF7A  }
0x23: {  	s9 =	sor.u32 $0xD0000000, s2;
	s6 =	simm.s32 $0x108;
	_ =	swait.ge @!p0 [sflag:s8], $0x0  }
0x24: {  	s3 =	sadd.s32 $0x88, s3;
	s6 =	simm.s32 @!p1 $0x1082;
	[sflag:s4] =	ssyncset.s32 $0xFFFFF086  }
0x25: {  	[simem:s6], [sflag:s4] =	dma.local [hbm:s3], $0xF7A  }
0x26: {  	[smem:$0x3F97] =	sst s1;
	(tag) =	ssettag s2;
	_ =	strace s9  }
0x27: {  	s1 =	sld [smem:$0x3FA7]  }
0x28: {  	s2 =	sld [smem:$0x3FA8]  }
0x29: {  	s4 =	sld [smem:$0x3FAA]  }
0x2a: {  	p0 =	seq.s32 s5, $0x0;
	s5 =	sld [smem:$0x3FAB]  }
0x2b: {  	s6 =	sld [smem:$0x3FAC]  }
0x2c: {  	s7 =	sld [smem:$0x3FAD]  }
0x2d: {  	s3 =	simm.s32 $0x108;
	s8 =	sld [smem:$0x3FAE]  }
0x2e: {  	s3 =	simm.s32 @!p0 $0x1082;
	s9 =	sld [smem:$0x3FAF]  }
0x2f: {  	lr =	sadd.s32 s0, s3;
	s0 =	sld [smem:$0x3FA6]  }
0x30: {  	s3 =	sld [smem:$0x3FA9]  }
0x31: {  	[smem:$0x3FB2] =	sst s10  }
0x32: {  	s10 =	sld [smem:$0x3FB0];
	_ =	sdelay $0x3  }
0x33: {  	p0 =	seq.s32 s10, $0x1;
	s10 =	sld [smem:$0x3FB2];
	_ =	sdelay $0x3  }
0x34: {  	[smem:$0x3FB2] =	sst s10  }
0x35: {  	s10 =	sld [smem:$0x3FB1];
	_ =	sdelay $0x3  }
0x36: {  	p1 =	seq.s32 s10, $0x1;
	s10 =	sld [smem:$0x3FB2];
	_ =	sdelay $0x3  }
0x37: {  	[smem:$0x3FB2] =	sst s10  }
0x38: {  	s10 =	sld [smem:$0x3FB3]  }
0x39: {  	_ = 	snop;
	(pc) =	sbr.ind lr, $3  }
0x3a: {  	_ = 	snop  }
0x3b: {  	_ = 	snop  }
0x3c: {  	p2 =	seq.s32 s10, $0x1;
	s10 =	sld [smem:$0x3FB2]  }
0x3d: {  	_ =	shalt  }
0x3e: {  	_ =	shalt  }
0x3f: {  	_ =	shalt  }
0x40: {  	_ =	shalt  }
0x41: {  	_ =	shalt  }
0x42: {  	_ =	shalt  }
0x43: {  	_ =	shalt  }
0x44: {  	_ =	shalt  }
0x45: {  	_ =	shalt  }
0x46: {  	_ =	shalt  }
0x47: {  	_ =	shalt  }
0x48: {  	_ =	shalt  }
0x49: {  	_ =	shalt  }
0x4a: {  	_ =	shalt  }
0x4b: {  	_ =	shalt  }
0x4c: {  	_ =	shalt  }
0x4d: {  	_ =	shalt  }
0x4e: {  	_ =	shalt  }
0x4f: {  	_ =	shalt  }
0x50: {  	_ =	shalt  }
0x51: {  	_ =	shalt  }
0x52: {  	_ =	shalt  }
0x53: {  	_ =	shalt  }
0x54: {  	_ =	shalt  }
0x55: {  	_ =	shalt  }
0x56: {  	_ =	shalt  }
0x57: {  	_ =	shalt  }
0x58: {  	_ =	shalt  }
0x59: {  	_ =	shalt  }
0x5a: {  	_ =	shalt  }
0x5b: {  	_ =	shalt  }
0x5c: {  	_ =	shalt  }
0x5d: {  	_ =	shalt  }
0x5e: {  	_ =	shalt  }
0x5f: {  	_ =	shalt  }
0x60: {  	_ =	shalt  }
0x61: {  	_ =	shalt  }
0x62: {  	_ =	shalt  }
0x63: {  	_ =	shalt  }
0x64: {  	_ =	shalt  }
0x65: {  	_ =	shalt  }
0x66: {  	_ =	shalt  }
0x67: {  	_ =	shalt  }
0x68: {  	_ =	shalt  }
0x69: {  	_ =	shalt  }
0x6a: {  	_ =	shalt  }
0x6b: {  	_ =	shalt  }
0x6c: {  	_ =	shalt  }
0x6d: {  	_ =	shalt  }
0x6e: {  	_ =	shalt  }
0x6f: {  	_ =	shalt  }
0x70: {  	_ =	shalt  }
0x71: {  	_ =	shalt  }
0x72: {  	_ =	shalt  }
0x73: {  	_ =	shalt  }
0x74: {  	_ =	shalt  }
0x75: {  	_ =	shalt  }
0x76: {  	_ =	shalt  }
0x77: {  	_ =	shalt  }
0x78: {  	_ =	shalt  }
0x79: {  	_ =	shalt  }
0x7a: {  	_ =	shalt  }
0x7b: {  	_ =	shalt  }
0x7c: {  	_ =	shalt  }
0x7d: {  	_ =	shalt  }
0x7e: {  	_ =	shalt  }
0x7f: {  	_ =	shalt  }
0x80: {  	_ =	shalt  }
0x81: {  	_ =	shalt  }
0x82: {  	_ =	shalt  }
0x83: {  	_ =	shalt  }
0x84: {  	_ =	shalt  }
0x85: {  	_ =	shalt  }
0x86: {  	_ =	shalt  }
0x87: {  	_ =	shalt  }
.Lfunc_end0:
.L_simem_size_0:
called_computation_lowered:
.L_overlay_start_0:
0x88: {  	s0 =	sld [smem:$0x3FD9]  }
0x89: {  	s1 =	sld [smem:$0x3FFE];
	_ =	sdelay $0x3  }
0x8a: {  	s0 =	sadd.s32 s1, s0  }
0x8b: {  	[smem:$0x3FBE] =	sst s0  }
0x8c: {  	_ = 	snop  }
0x8d: {  	(tm) =	ssettm $0x1  }
0x8e: {  	s15 =	sld [smem:$0x3FFB];
	_ =	sdelay $0x3  }
0x8f: {  	_ =	strace s15  }
0x90: {  	s0 =	sld [smem:$0x3FFC];
	_ =	sdelay $0x3  }
0x91: {  	_ =	strace s0  }
0x92: {  	s0 =	sld [smem:$0x3FFD];
	_ =	sdelay $0x3  }
0x93: {  	_ =	strace s0  }
0x94: {  	_ =	strace $0x8FFFFFFF  }
0x95: {  	s16 =	sld [smem:$0x3FDB];
	_ =	sdelay $0x1  }
0x96: {  	s17 =	simm.s32 $_scs_section_size  }
0x97: {  	s2 =	simm.s32 $_size__tile_overlayer_lowered;
	s3 =	simm.s32 $_tile_overlayer_lowered  }
0x98: {  	s20 =	simm.s32 $0x1BFF;
	s19 =	sshll.u32 s3, $0x1;
	s0 =	sadd.s32 s17, s16  }
0x99: {  	s4 =	simm.s32 $0x0;
	s18 =	sshll.u32 s2, $0x1;
	s2 =	sadd.s32 s19, s0  }
0x9a: {  	[timem:s4], [sflag:s20] =	dma.local [hbm:s2], s18  }
0x9b: {  	_ =	swait.ge [sflag:s20], s18  }
0x9c: {  	s1 =	ssub.s32 $0x0, s18;
	[sflag:s20] =	ssyncset.done $0x0  }
0x9d: {  	[sflag:s20] =	ssyncadd.s32 s1;
	_ =	sdelay $0x1  }
0x9e: {  	s21 =	simm.s32 $0x1B8B  }
0x9f: {  	_ =	swait.ge [sflag:s21], $0x1  }
0xa0: {  	[sflag:s21] =	ssyncset.done $0x0  }
0xa1: {  	s23 =	simm.s32 $0x1B8E;
	s22 =	sld [smem:$0x3FFE];
	[sflag:s21] =	ssyncadd.s32 $0xFFFFFFFF  }
0xa2: {  	s24 =	simm.s32 $execute0_lowered;
	[smem:$0x3FD2] =	sst s23  }
0xa3: {  	s2 =	sshll.u32 s24, $0x1;
	_ =	strace $0x80000046;
	[dreg:$0x1] =	wrdreg $0xFFFFFFFF  }
0xa4: {  	s25 =	simm.s32 $_size_execute0_lowered;
	s0 =	sadd.s32 s0, s2;
	[dreg:$0x0] =	wrdreg $0x0  }
0xa5: {  	s2 =	sshll.u32 s25, $0x1;
	[dreg:$0x2] =	wrdreg s0  }
0xa6: {  	[dreg:$0x3] =	wrdreg s2  }
0xa7: {  	[dreg:$0x4] =	wrdreg $0xC0  }
0xa8: {  	_ =	task [dreg:s4], $0x5FFFF  }
0xa9: {  	[dreg:$0x1] =	wrdreg $0xFFFFFFFF  }
0xaa: {  	[dreg:$0x0] =	wrdreg $0x60  }
0xab: {  	[dreg:$0x2] =	wrdreg s22  }
0xac: {  	[dreg:$0x3] =	wrdreg $0x9  }
0xad: {  	_ =	task.clear_ibuf [dreg:s4], $0x4FFFF;
	_ =	strace $0x90000046  }
0xae: {  	s26 =	simm.s32 $0x9;
	_ =	strace $0x80000048  }
0xaf: {  	_ =	swait.ge [sflag:s26], $0x1  }
0xb0: {  	[sflag:s26] =	ssyncadd.s32 $0xFFFFFFFF  }
0xb1: {  	_ =	strace $0x90000048  }
0xb2: {  	_ =	sfence  }
0xb3: {  	s28 =	sld [smem:$0x0];
	_ =	sdelay $0x1  }
0xb4: {  	s29 =	srdreg.scid  }
0xb5: {  	s30 =	sshll.u32 s29, $0xD;
	s31 =	sshrl.u32 s29, $0x2  }
0xb6: {  	s1 =	sand.u32 $0x1, s29;
	s2 =	sand.u32 $0x4000, s30;
	s0 =	sadd.s32 s31, s28  }
0xb7: {  	s1 =	sor.u32 s2, s1;
	s0 =	sshll.u32 s0, $0x11  }
0xb8: {  	s0 =	sor.u32 s0, s1  }
0xb9: {  	s0 =	sadd.s32 $0x8F2B, s0  }
0xba: {  	[sflag:s0] =	ssyncadd.remote.s32 $0x1  }
0xbb: {  	_ =	sfence.sel $0xFFFF  }
0xbc: {  	[dreg:$0x0] =	wrdreg $0xFFFFFFFF;
	(pc) =	sbr.abs _section_cstart, $3  }
0xbd: {  	[dreg:$0x1] =	wrdreg $0xFFFFFFFF  }
0xbe: {  	_ =	task.clear_ibuf [dreg:s4], $0x2FFFF;
	_ =	strace $0x9FFFFFFF  }
0xbf: {  	(tm) =	ssettm $0x7FFFFFFF  }
tec
execute0_lowered:
.L_overlay_start_1:
0x0: {  	(tag) =	ssettag $0x1  }
0x1: {  	s0 =	rddreg [dreg:$0x0]  }
0x2: {  	s11 =	stileid.u32;
	_ =	strace $0x80000047;
	s2 =	simm.s32 $0x1  }
0x3: {  	v1 =	vimm.s32 $0xFFFFFFFF;
	s1 =	smin.u32 s11, $0x4;
	[sflag:s2] =	ssyncpa.u1 $0x0  }
0x4: {  	s1 =	sadd.s32 s11, s1;
	[tilespmem:$0x10] =	vst v1  }
0x5: {  	v0 =	vimm.f32 $-Inf;
	p0 =	slt.u32 s11, $0x4;
	[tilespmem:$0x20] =	vst v1;
	s3 =	smul.u32 $0x1F40, s1;
	s1 =	simm.s32 $0x3E80  }
0x6: {  	[tilespmem:$0x30] =	vst v0;
	s1 =	simm.s32 @!p0 $0x1F40  }
0x7: {  	[tilespmem:$0x40] =	vst v0;
	s1 =	sadd.s32 s1, s3  }
0x8: {  	[tilespmem:$0x50] =	vst v0;
	s4 =	smin.u32 s1, $0x27100  }
0x9: {  	s7 =	simm.s32 $0x2;
	s8 =	simm.s32 $0x8;
	[tilespmem:$0x60] =	vst v1;
	s6 =	ssub.s32 s4, s3  }
0xa: {  	s30 =	simm.s32 $0x9;
	s16 =	simm.s32 $0x0;
	[tilespmem:$0x70] =	vst v1;
	p0 =	sgt.s32 s6, $0x0  }
0xb: {  	s17 =	simm.s32 $0xF0;
	s18 =	simm.s32 $0xFFFFFFFF;
	[tilespmem:$0x80] =	vst v1;
	s6 =	simm.s32 @!p0 $0x0  }
0xc: {  	s19 =	simm.s32 $0xFFFFC280;
	s20 =	simm.s32 $0xFFFFFFFE;
	v1 =	vimm.s32 $0x0;
	[tilespmem:$0xB0] =	vst v0;
	s5 =	smulhi.u32 $0x10624DD3, s6  }
0xd: {  	s21 =	simm.s32 $0xF;
	s25 =	simm.s32 $0x0;
	s24 =	simm.s32 $0x0;
	[tilespmem:$0x90] =	vst v1  }
0xe: {  	[tilespmem:$0xA0] =	vst v1;
	[sflag:s7] =	ssyncpa.u1 $0x0;
	s7 =	simm.s32 $0x7;
	s9 =	sshrl.u32 s5, $0x9  }
0xf: {  	s14 =	sshllo.u32 s11, $0x1;
	[sflag:s7] =	ssyncpa.u1 $0x0;
	s10 =	smul.u32 $0x1F40, s9  }
0x10: {  	[sflag:s8] =	ssyncpa.u1 $0x0;
	s23 =	smov.u32 s3;
	s1 =	sadd.s32 $0xE00, s0  }
.Ltmp0:
0x11: {  	[sflag:s30] =	ssyncpa.u1 $0x0;
	p0 =	sne.s32 s6, s10;
	(pc) =	sbr.rel .LBB2_1-.Ltmp0, $4  }
0x12: {  	s5 =	sadd.s32 $0x27E600, s0;
	s0 =	sadd.s32 $0x283600, s0;
	s2 =	simm.s32 @!p0 $0x0  }
0x13: {  	[dreg:$0x2] =	wrdreg s0;
	s10 =	sshll.u32 s11, $0x1;
	s9 =	sadd.s32 s2, s9  }
0x14: {  	vm0 =	vmmov $0xffff;
	v2 =	vlaneseq.u32;
	vm1 =	vmxor vm1, vm1;
	s13 =	sor.u32 $0x81, s10;
	s15 =	sor.u32 $0x80, s10;
	s31 =	sadd.s32 $0x1, s9  }
0x15: {  	vm2 =	vmmov $0x1;
	v3 =	vimm.f32 $0.0e+00;
	vm3 =	vcmask $0x3F3C;
	p0 =	por $0x0, $0x0;
	s12 =	sadd.s32 $0x2, s9;
	[dreg:$0x3] =	wrdreg s31  }
.LBB2_9:
0x16: {  	p1 =	slt.u32 s24, $0x3  }
0x17: {  	s0 =	simm.s32 @!p1 $0x2  }
0x18: {  	_ =	swait.ge @!p1 [sflag:s0], $0x1F40  }
0x19: {  	[sflag:s0] =	ssyncset.done @!p1 $0x0  }
0x1a: {  	[sflag:s0] =	ssyncadd.s32 @!p1 $0xFFFFE0C0;
	s0 =	simm.s32 @!p1 $0x9  }
0x1b: {  	_ =	swait.ge @!p1 [sflag:s0], $0x10  }
0x1c: {  	[sflag:s0] =	ssyncset.done @!p1 $0x0  }
0x1d: {  	[sflag:s0] =	ssyncadd.s32 @!p1 $0xFFFFFFF0;
	p1 =	sne.s32 s24, s12  }
.Ltmp1:
0x1e: {  	s2 =	sadd.s32 $0x1F40, s23;
	(pc) =	sbr.rel @!p1 .LBB2_10-.Ltmp1, $4  }
0x1f: {  	s6 =	smov.u32 s3;
	s31 =	sadd.s32 $0x1, s24;
	s17 =	sadd.s32 $0x1F40, s17  }
0x20: {  	s18 =	sadd.s32 $0x1, s18;
	s25 =	smov.u32 s23;
	p2 =	slt.s32 s2, s4  }
0x21: {  	p0 =	por !p0, !p0;
	s19 =	sadd.s32 $0x1F40, s19;
	s6 =	smov.u32 @p2 s2  }
0x22: {  	s20 =	sadd.s32 $0x1, s20;
	s23 =	smov.u32 s6;
	s24 =	smov.u32 s31  }
.LBB2_1:
0x23: {  	p1 =	sge.u32 s24, s9  }
0x24: {  	s0 =	smulhi.u32 @!p1 $0xAAAAAAAB, s24;
	_ =	sdelay $0x1  }
0x25: {  	s0 =	sshrl.u32 @!p1 s0, $0x1  }
0x26: {  	s0 =	smul.u32 @!p1 $0x3, s0;
	_ =	sdelay $0x1  }
0x27: {  	s0 =	ssub.s32 @!p1 s24, s0  }
0x28: {  	s0 =	smul.u32 @!p1 $0x7D00, s0;
	_ =	sdelay $0x1  }
0x29: {  	s2 =	sshrl.u32 @!p1 s23, $0x3;
	s0 =	sshrl.u32 @!p1 s0, $0x2  }
0x2a: {  	s6 =	sand.u32 @!p1 $0x7, s23;
	s2 =	sadd.s32 @!p1 s5, s2;
	s0 =	sadd.s32 @!p1 $0x100, s0  }
0x2b: {  	[tilespmem:s0], [sflag:$0x7] =	stream.linear.gather @!p1 [hbm4b:s2+s6], $0x1F40, $0x38;
	[tilespmem:$0x11A60] =	vst v63  }
0x2c: {  	s0 =	sadd.s32 $0xFFFFFFFF, s24  }
0x2d: {  	p1 =	sge.u32 s0, s9  }
.Ltmp2:
0x2e: {  	_ = 	snop;
	(pc) =	sbr.rel @p1 .LBB2_5-.Ltmp2, $1  }
0x2f: {  	_ =	sdelay $0x3  }
0x30: {  	s2 =	smulhi.u32 $0xAAAAAAAB, s0;
	_ =	sdelay $0x1  }
0x31: {  	s2 =	sshrl.u32 s2, $0x1  }
0x32: {  	s2 =	smul.u32 $0x3, s2;
	_ =	sdelay $0x1  }
0x33: {  	s2 =	ssub.s32 s0, s2  }
0x34: {  	s2 =	smul.u32 $0x7D00, s2  }
0x35: {  	_ =	swait.ge [sflag:s7], $0x1F40  }
0x36: {  	[sflag:s7] =	ssyncset.done $0x0;
	s2 =	sshrl.u32 s2, $0x2  }
0x37: {  	[sflag:s7] =	ssyncadd.s32 $0xFFFFE0C0;
	(ifvalue) =	ssetifvalue $0xFFFFFFFF;
	v4 =	vld.msk [tilespmem:s2+$0x100 ss:$0x1], $0xffff;
	_ =	sdelay $0x2  }
0x38: {  	s29 =	smulhi.u32 $0xAAAAAAAB, s18;
	p1 =	sne.s32 s24, $0x1  }
0x39: {  	v5 =	vimm.s32 @!p1 $0x0  }
0x3a: {  	s2 =	sshrl.u32 s29, $0x1;
	v5 =	vperm.xlane @!p1 v4, v5  }
0x3b: {  	s6 =	sshll.u32 s24, $0x4;
	s2 =	smul.u32 $0xFFFE8900, s2;
	vm4 =	vlt.u32 v4, $0x2800  }
0x3c: {  	s6 =	sand.u32 $0x10, s6;
	v4 =	vnsel vm4, $0xFFFFFFFE, v4;
	vm4 =	vlt.u32 @!p1 v5, $0x2800  }
0x3d: {  	s2 =	sshra.s32 s2, $0x2;
	[tilespmem:s6+$0x60] =	vst v4;
	v4 =	vnsel @!p1 vm4, $0xFFFFFFFE, v5  }
0x3e: {  	s30 =	sadd.s32 s2, s17;
	[tilespmem:$0x80] =	vst @!p1 v4  }
0x3f: {  	v4 =	vld.msk [tilespmem:s30+$0x0 ss:$0x1], $0xffff;
	_ =	sdelay $0x4  }
0x40: {  	(xrf1) =	vunique.msk.u32 $0xffff, v4;
	_ =	sdelay $0xd  }
0x41: {  	v5 =	vimm.s32 $0xFFFFFFFF;
	v6, _, _ =	vpop (xrf1)  }
0x42: {  	vm5 =	vne.s32 v4, v5;
	vm4 =	veq.s32 v6, v2  }
0x43: {  	vm6 =	vlt.u32 v4, $0x2800;
	vm4 =	vmand vm5, vm4  }
0x44: {  	vm4 =	vmand vm6, vm4  }
0x45: {  	v5 =	vnsel vm4, $0xFFFFFFFF, v4  }
0x46: {  	s31 =	sand.u32 $0x1, s0  }
0x47: {  	s26 =	simm.s32 $0x1F40;
	p1 =	seq.s32 s31, $0x1  }
0x48: {  	s26 =	simm.s32 @!p1 $0x0  }
0x49: {  	s28 =	sadd.s32 $0x7DF0, s26;
	(ifvalue) =	ssetifvalue $0xFFFFFFFF  }
0x4a: {  	v4 =	vperm.xlane v4, v1;
	[tilespmem:s28], [sflag:$0x8] =	stream.indirect_vreg.gather [hbm4b:s1+s16], $0x1, v5, vm0, $0x4038;
	v5 =	vnsel vm6, $0xFFFFFFFE, v5;
	[tilespmem:$0x11A60] =	vst v63  }
0x4b: {  	s0 =	simm.s32 $0x0;
	s2 =	sadd.s32 $0xFFFFFFF0, s30;
	[tilespmem:s30+$0x0] =	vst v5  }
.LBB2_3:
0x4c: {  	v5 =	vld.msk [tilespmem:s2+$0x0 ss:$0x1], $0xffff;
	s0 =	sadd.s32 $0x10, s0;
	v6 =	vmov v4;
	s6 =	smov.u32 s2  }
0x4d: {  	p1 =	slt.u32 s0, $0x1F30;
	_ =	sdelay $0x4  }
0x4e: {  	v4 =	vperm.xlane v5, v1;
	(xrf1) =	vunique.msk.u32 $0xffff, v5;
	_ =	sdelay $0xd  }
0x4f: {  	v7, _, _ =	vpop (xrf1)  }
0x50: {  	vm5 =	vne.s32 v5, v6;
	vm4 =	veq.s32 v7, v2  }
0x51: {  	vm6 =	vlt.u32 v5, $0x2800;
	vm4 =	vmand vm5, vm4  }
0x52: {  	vm4 =	vmand vm6, vm4  }
0x53: {  	v5 =	vnsel vm4, $0xFFFFFFFF, v5  }
.Ltmp3:
0x54: {  	v6 =	vnsel vm6, $0xFFFFFFFE, v5;
	(pc) =	sbr.rel @p1 .LBB2_3-.Ltmp3, $3  }
0x55: {  	_ =	sdelay $0x1  }
0x56: {  	s2 =	sadd.s32 $0xFFFFFFF0, s2;
	s28 =	sadd.s32 $0xFFFFFFF0, s28;
	(ifvalue) =	ssetifvalue $0xFFFFFFFF  }
0x57: {  	[tilespmem:s28], [sflag:$0x8] =	stream.indirect_vreg.gather [hbm4b:s1+s16], $0x1, v5, vm0, $0x4038;
	[tilespmem:s6+$0x0] =	vst v6  }
0x58: {  	s0 =	sshrl.u32 s25, $0x3;
	s2 =	rddreg [dreg:$0x2]  }
0x59: {  	s31 =	sadd.s32 $0x9D40, s26;
	s0 =	sadd.s32 s2, s0  }
0x5a: {  	[tilespmem:s31], [sflag:$0x8] =	stream.linear.gather [hbm:s0], $0x1F40, $0x38;
	[tilespmem:$0x11A60] =	vst v63  }
.LBB2_5:
0x5b: {  	p1 =	slt.u32 s24, $0x2  }
0x5c: {  	p2 =	sge.u32 @!p1 s24, s12  }
0x5d: {  	p1 =	por p1, p2  }
.Ltmp4:
0x5e: {  	_ = 	snop;
	(pc) =	sbr.rel @p1 .LBB2_9-.Ltmp4, $1  }
0x5f: {  	_ =	sdelay $0x3  }
0x60: {  	s0 =	sadd.s32 $0xFFFFFFFE, s24  }
0x61: {  	s2 =	smulhi.u32 $0xAAAAAAAB, s0;
	_ =	sdelay $0x1  }
0x62: {  	s2 =	sshrl.u32 s2, $0x1  }
0x63: {  	s2 =	smul.u32 $0x3, s2;
	_ =	sdelay $0x1  }
0x64: {  	_ =	swait.ge [sflag:s8], $0x3E80;
	s0 =	ssub.s32 s0, s2  }
0x65: {  	s6 =	rddreg [dreg:$0x3];
	s0 =	smul.u32 $0x1F40, s0  }
0x66: {  	[sflag:s8] =	ssyncset.done $0x0;
	p1 =	sne.s32 s24, s6  }
0x67: {  	[sflag:s8] =	ssyncadd.s32 $0xFFFFC180;
	s2 =	sadd.s32 @!p1 $0x203F, s0  }
0x68: {  	[spmem:s13] =	stream.linear.scatter @!p1 [tilespmem:s2], [sflag:$0x1], $0x1, $0x38;
	[tilespmem:$0x11A60] =	vst v63  }
0x69: {  	s2 =	simm.s32 @!p1 $0x1  }
0x6a: {  	_ =	swait.ge @!p1 [sflag:s2], $0x1  }
0x6b: {  	s6 =	sshll.u32 s24, $0x4;
	[sflag:s2] =	ssyncset.done @!p1 $0x0  }
0x6c: {  	s25 =	sand.u32 $0x10, s6;
	[sflag:s2] =	ssyncadd.s32 @!p1 $0xFFFFFFFF  }
0x6d: {  	s2 =	sxor.u32 $0x10, s25;
	v5 =	vld [tilespmem:s25+$0x10]  }
0x6e: {  	v6 =	vld [tilespmem:s2+$0x60]  }
0x6f: {  	v4 =	vld [tilespmem:$0x80];
	_ =	sdelay $0x2  }
0x70: {  	(v2sf) =	vpush v5, $0x0  }
0x71: {  	(v2sf) =	vpush v6, $0x0  }
0x72: {  	(v2sf) =	vpush v4, $0x0;
	_ =	sdelay $0xc  }
0x73: {  	s11 =	spop (v2sf)  }
0x74: {  	s22 =	spop (v2sf)  }
0x75: {  	s28 =	spop (v2sf)  }
0x76: {  	p2 =	seq.s32 s11, s22;
	p3 =	seq.s32 s28, s11  }
0x77: {  	p3 =	por p2, p3  }
0x78: {  	s26 =	sand.u32 $0x1, s24;
	v5 =	vpsel p3, $0xFFFFFFFF, v5  }
0x79: {  	s29 =	smul.u32 $0x1F40, s26;
	[tilespmem:s25+$0x10] =	vst.msk $0x1, v5  }
0x7a: {  	v5 =	vld [tilespmem:$0x30]  }
0x7b: {  	v6 =	vld [tilespmem:s29+$0x9D40]  }
0x7c: {  	v7 =	vld [tilespmem:s25+$0x40];
	_ =	sdelay $0x2  }
0x7d: {  	vm4 =	vmmov vm1  }
0x7e: {  	vm5 =	vmmov vm2;
	s6 =	sshll.u32 s26, $0x4;
	vm4 =	vmmov @p2 vm2;
	v6 =	vmax.f32 v5, v6  }
0x7f: {  	s26 =	sor.u32 $0x11A40, s6;
	vm5 =	vmmov @p3 vm1;
	v5 =	vmax.f32 v5, v7;
	[tilespmem:s29+$0x9D40] =	vst.msk vm4, v6  }
0x80: {  	[tilespmem:s26+$0x0] =	vst.msk vm5, v5  }
0x81: {  	v5 =	vld [tilespmem:s29+$0x7DF0];
	_ =	sdelay $0x4  }
0x82: {  	v5 =	vshift.insert v5, v3, s21  }
0x83: {  	s11 =	sor.u32 $0x40, s2  }
0x84: {  	v6 =	vimm.f32 $-Inf;
	[tilespmem:s11+$0x0] =	vst.msk $0x1, v5  }
0x85: {  	[tilespmem:s29+$0x7DFF] =	vst.msk $0x1, v6  }
0x86: {  	v5 =	vld [tilespmem:s0+$0x2030]  }
0x87: {  	s22 =	smulhi.u32 $0xAAAAAAAB, s20;
	_ =	sdelay $0x1  }
0x88: {  	s6 =	simm.s32 $0x1;
	s0 =	sshrl.u32 s22, $0x1  }
0x89: {  	s6 =	simm.s32 @!p0 $0x0;
	s0 =	smul.u32 $0xFFFE8900, s0  }
0x8a: {  	s6 =	smul.u32 $0x7D00, s6;
	v5 =	vshift.insert v5, v1, s21  }
0x8b: {  	s0 =	sshra.s32 s0, $0x2  }
0x8c: {  	s6 =	sshrl.u32 s6, $0x2;
	s22 =	sadd.s32 s0, s19;
	[tilespmem:s2+$0x10] =	vst.msk $0x1, v5  }
0x8d: {  	s2 =	sadd.s32 $0x9D40, s6;
	v7 =	vld [tilespmem:s22+$0x0]  }
0x8e: {  	v8 =	vld [tilespmem:s2+$0x0];
	_ =	sdelay $0x4  }
0x8f: {  	vm4 =	vne.s32 v7, $0xFFFFFFFF;
	v6 =	vmax.f32 v8, v6  }
0x90: {  	(xrf0) =	vmax.seg.scan.f32 vm4, v6  }
0x91: {  	s11 =	sadd.s32 $0x5EC0, s6;
	v8 =	vld [tilespmem:$0xA0]  }
0x92: {  	v9 =	vld [tilespmem:s11+$0x0];
	_ =	sdelay $0x1  }
0x93: {  	v6 =	vperm.xlane v5, v1;
	_ =	sdelay $0x1  }
0x94: {  	vm6 =	veq.s32 v7, v4;
	vm7 =	veq.s32 v7, v6;
	vm5 =	veq.s32 v8, $0x1;
	v8, _, _ =	vpop (xrf0)  }
0x95: {  	vm8 =	vgt.u32 v7, $0xFFFFFFFD;
	vm7 =	vmor vm7, vm6;
	v9 =	vmax.f32 v8, v9  }
0x96: {  	s30 =	sadd.s32 $0xDBC0, s6;
	v10 =	vld [tilespmem:$0x90];
	vm7 =	vmor vm7, vm8;
	v9 =	vsel vm6, v8, v9  }
0x97: {  	[tilespmem:s30+$0x0] =	vst v9;
	v9 =	vsel vm7, $0xFFFFFFFF, v7;
	_ =	sdelay $0x1  }
0x98: {  	vm9 =	vmand vm4, vm3  }
0x99: {  	s31 =	simm.s32 $0x0;
	s6 =	sadd.s32 $0x10, s11;
	s0 =	sadd.s32 $0x10, s2;
	v11 =	vsel vm9, $0xFF800000, v8  }
0x9a: {  	s2 =	sadd.s32 $0x10, s22;
	s22 =	sadd.s32 $0x10, s30;
	vm4 =	vmor vm5, vm6;
	v7 =	vsel vm6, v8, v10;
	v8 =	vshift.insert v11, v0, s21;
	(ifvalue) =	ssetifvalue $0xFFFFFFFF  }
.LBB2_7:
0x9b: {  	[hbm4b:s1+s16] =	stream.indirect_vreg.scatter [tilespmem:s30], [sflag:$0x2], $0x1, v9, vm0, $0x4038;
	[tilespmem:$0x11A60] =	vst v63  }
0x9c: {  	s31 =	sadd.s32 $0x10, s31;
	s30 =	smov.u32 s22;
	v9 =	vld [tilespmem:s2+$0x0]  }
0x9d: {  	p2 =	slt.u32 s31, $0x1F30;
	v10 =	vld [tilespmem:s0+$0x0];
	_ =	sdelay $0x4  }
0x9e: {  	vm5 =	vne.s32 v9, $0xFFFFFFFF;
	v8 =	vmax.f32 v10, v8  }
0x9f: {  	(xrf0) =	vmax.seg.scan.f32 vm5, v8;
	_ =	sdelay $0x1  }
0xa0: {  	v8 =	vld [tilespmem:s6+$0x0]  }
0xa1: {  	vm6 =	veq.s32 v9, v4;
	vm7 =	veq.s32 v9, v6  }
0xa2: {  	vm8 =	vgt.u32 v9, $0xFFFFFFFD;
	vm4 =	vmor vm4, vm6;
	vm7 =	vmor vm7, vm6  }
0xa3: {  	vm7 =	vmor vm7, vm8  }
.Ltmp5:
0xa4: {  	vm5 =	vmand vm5, vm3;
	v9 =	vsel vm7, $0xFFFFFFFF, v9;
	v10, _, _ =	vpop (xrf0);
	(pc) =	sbr.rel @p2 .LBB2_7-.Ltmp5, $4  }
0xa5: {  	v7 =	vsel vm6, v10, v7;
	v8 =	vmax.f32 v10, v8;
	v11 =	vsel vm5, $0xFF800000, v10  }
0xa6: {  	v10 =	vsel vm6, v10, v8;
	v8 =	vshift.insert v11, v0, s21  }
0xa7: {  	s2 =	sadd.s32 $0x10, s2;
	s0 =	sadd.s32 $0x10, s0;
	[tilespmem:s22+$0x0] =	vst v10  }
0xa8: {  	s6 =	sadd.s32 $0x10, s6;
	s22 =	sadd.s32 $0x10, s22;
	(ifvalue) =	ssetifvalue $0xFFFFFFFF  }
0xa9: {  	_ =	sdelay $0x3  }
0xaa: {  	[hbm4b:s1+s16] =	stream.indirect_vreg.scatter [tilespmem:s30], [sflag:$0x2], $0x1, v9, vm0, $0x4038;
	[tilespmem:$0x11A60] =	vst v63  }
0xab: {  	v4 =	vld [tilespmem:s29+$0xFAF0];
	_ =	sdelay $0x4  }
0xac: {  	v4 =	vshift.insert v4, v3, s21  }
0xad: {  	s0 =	simm.s32 $0x30  }
0xae: {  	[tilespmem:s0+$0x0] =	vst.msk $0x1, v4  }
0xaf: {  	v4 =	vsel vm4, $0x1, v1;
	[tilespmem:$0x90] =	vst v7  }
0xb0: {  	s0 =	sadd.s32 @!p1 $0xFAFF, s29;
	[tilespmem:$0xA0] =	vst v4  }
0xb1: {  	[spmem:s14] =	stream.linear.scatter @!p1 [tilespmem:s0], [sflag:$0x1], $0x1, $0x38;
	[tilespmem:$0x11A60] =	vst v63  }
0xb2: {  	s0 =	simm.s32 @!p1 $0x1  }
0xb3: {  	v4 =	vmctz.xlane @!p1 vm4;
	_ =	swait.ge @!p1 [sflag:s0], $0x1  }
0xb4: {  	(v2sf) =	vpush @!p1 v5, $0x0  }
0xb5: {  	(v2sf) =	vpush @!p1 v4, $0x0;
	_ =	sdelay $0xd  }
0xb6: {  	s2 =	spop @!p1 (v2sf)  }
0xb7: {  	s6 =	spop @!p1 (v2sf)  }
0xb8: {  	p2 =	sne.s32 @!p1 s28, s2;
	p3 =	slt.s32 @!p1 s6, $0xF  }
0xb9: {  	[sflag:s0] =	ssyncset.done @!p1 $0x0;
	p2 =	por p2, p1;
	p3 =	por !p3, p1  }
0xba: {  	[sflag:s0] =	ssyncadd.s32 @!p1 $0xFFFFFFFF;
	v4 =	vimm.s32 @!p2 $0xFFFFFFFF;
	s6 =	simm.s32 @p3 $0xF  }
0xbb: {  	[tilespmem:$0x80] =	vst @!p2 v4;
	s2 =	sadd.s32 @!p1 $0x90, s6  }
0xbc: {  	[spmem:s10] =	stream.linear.scatter @!p1 [tilespmem:s2], [sflag:$0x1], $0x1, $0x38;
	[tilespmem:$0x11A60] =	vst v63  }
0xbd: {  	_ =	swait.ge @!p1 [sflag:s0], $0x1  }
0xbe: {  	[sflag:s0] =	ssyncset.done @!p1 $0x0  }
0xbf: {  	s2 =	simm.s32 @!p1 $0x80;
	[sflag:s0] =	ssyncadd.s32 @!p1 $0xFFFFFFFF  }
0xc0: {  	[spmem:s15] =	stream.linear.scatter @!p1 [tilespmem:s2], [sflag:$0x1], $0x1, $0x38;
	[tilespmem:$0x11A60] =	vst v63  }
0xc1: {  	_ =	swait.ge @!p1 [sflag:s0], $0x1  }
0xc2: {  	[sflag:s0] =	ssyncset.done @!p1 $0x0  }
0xc3: {  	[sflag:s0] =	ssyncadd.s32 @!p1 $0xFFFFFFFF;
	(ifvalue) =	ssetifvalue $0xFFFFFFFF;
	v4 =	vld [tilespmem:s25+$0x10];
	_ =	sdelay $0x3  }
.Ltmp6:
0xc4: {  	_ = 	snop;
	(pc) =	sbr.rel .LBB2_9-.Ltmp6, $3  }
0xc5: {  	_ =	sdelay $0x1  }
0xc6: {  	(ifvalue) =	ssetifvalue $0xFFFFFFFF  }
0xc7: {  	[hbm4b:s1+s16] =	stream.indirect_vreg.scatter [tilespmem:s26], [sflag:$0x9], $0x1, v4, vm0, $0x4038;
	[tilespmem:$0x11A60] =	vst v63  }
.LBB2_10:
0xc8: {  	_ =	sfence.sel $0x180000  }
0xc9: {  	s0 =	simm.s32 $0x7;
	[bflag:$0x0] =	sbarrier.arrive $0xFFFF  }
0xca: {  	s26 =	simm.s32 $0x8;
	[sflag:s0] =	ssyncpa.u1 $0x1  }
0xcb: {  	s28 =	simm.s32 $0x9;
	[sflag:s26] =	ssyncpa.u1 $0x1  }
0xcc: {  	[sflag:s28] =	ssyncpa.u1 $0x1  }
0xcd: {  	_ =	sfence.stream.spmem  }
0xce: {  	s29 =	simm.s32 $0x3;
	[bflag:$0x0] =	sbarrier.arrive $0xFFFF  }
0xcf: {  	s30 =	simm.s32 $0x4;
	[sflag:s29] =	ssyncpa.u1 $0x1  }
0xd0: {  	s31 =	simm.s32 $0x3C;
	s2 =	stileid.u32;
	[sflag:s30] =	ssyncpa.u1 $0x1  }
0xd1: {  	p0 =	sne.s32 s2, $0x0;
	[sflag:s31] =	ssyncpa.u1 $0x1  }
0xd2: {  	s0 =	simm.s32 @p0 $0x1;
	_ =	sfence @p0  }
0xd3: {  	[sflag:s0] =	ssyncpa.u1 @p0 $0x1;
	s0 =	simm.s32 @p0 $0x2  }
0xd4: {  	[sflag:s0] =	ssyncpa.u1 @p0 $0x1  }
0xd5: {  	_ =	strace @p0 $0x90000047  }
0xd6: {  	[bflag:$0x2] =	sbarrier.arrive @p0 $0xFFFF  }
0xd7: {  	_ =	shalt @p0  }
.LBB2_11:
0xd8: {  	_ =	sfence.stream.spmem;
	s0 =	simm.s32 $0x5  }
0xd9: {  	s2 =	simm.s32 $0x80;
	s3 =	simm.s32 $0xC0;
	[sflag:s0] =	ssyncpa.u1 $0x0  }
0xda: {  	[tilespmem:s3], [sflag:$0x5] =	stream.linear.gather [spmem:s2], $0x20, $0x38;
	[tilespmem:$0x11A60] =	vst v63  }
0xdb: {  	s30 =	simm.s32 $0xE0;
	s2 =	simm.s32 $0x0  }
0xdc: {  	[tilespmem:s30], [sflag:$0x5] =	stream.linear.gather [spmem:s2], $0x20, $0x38;
	[tilespmem:$0x11A60] =	vst v63  }
.Ltmp7:
0xdd: {  	_ = 	snop;
	(pc) =	sbr.rel .LBB2_12-.Ltmp7, $4  }
0xde: {  	_ =	swait.ge [sflag:s0], $0x40  }
0xdf: {  	[sflag:s0] =	ssyncset.done $0x0  }
0xe0: {  	s31 =	simm.s32 $0x6;
	[sflag:s0] =	ssyncadd.s32 $0xFFFFFFC0  }
0xe1: {  	s3 =	simm.s32 $0x0;
	[sflag:s31] =	ssyncpa.u1 $0x0  }
.LBB2_17:
0xe2: {  	p0 =	sgt.u32 s4, $0x27FF  }
0xe3: {  	s0 =	sshrl.u32 @!p0 s4, $0x3  }
0xe4: {  	s4 =	sand.u32 @!p0 $0x7, s4;
	s5 =	simm.s32 @!p0 $0xB0;
	s0 =	sadd.s32 @!p0 s1, s0  }
0xe5: {  	[tilespmem:s5], [sflag:$0x6] =	stream.linear.gather @!p0 [hbm4b:s0+s4], $0x1, $0x38;
	[tilespmem:$0x11A60] =	vst v63  }
0xe6: {  	s0 =	simm.s32 @!p0 $0x6  }
0xe7: {  	_ =	swait.ge @!p0 [sflag:s0], $0x1  }
0xe8: {  	[sflag:s0] =	ssyncset.done @!p0 $0x0  }
0xe9: {  	[sflag:s0] =	ssyncadd.s32 @!p0 $0xFFFFFFFF  }
0xea: {  	v1 =	vld.msk @!p0 [tilespmem:$0xB0], $0x1  }
0xeb: {  	v2 =	vld.msk @!p0 [tilespmem:s3+$0xE0], $0x1;
	_ =	sdelay $0x4  }
0xec: {  	v1 =	vmax.f32 @!p0 v2, v1  }
0xed: {  	[tilespmem:s3+$0xE0] =	vst.msk @!p0 $0x1, v1  }
0xee: {  	[tilespmem:s2+$0xC0] =	vst.msk $0x1, v0  }
0xef: {  	v0 =	vld.msk [tilespmem:s3+$0xE0], $0x1;
	_ =	sdelay $0x4  }
0xf0: {  	[tilespmem:s2+$0xE0] =	vst.msk $0x1, v0;
	s2 =	sadd.s32 $0x1, s2  }
.LBB2_19:
0xf1: {  	s3 =	sadd.s32 $0x1, s3  }
0xf2: {  	p0 =	sne.s32 s3, $0x20  }
.Ltmp8:
0xf3: {  	_ = 	snop;
	(pc) =	sbr.rel @!p0 .LBB2_20-.Ltmp8, $1  }
0xf4: {  	_ =	sdelay $0x3  }
.LBB2_12:
0xf5: {  	v0 =	vld.msk [tilespmem:s3+$0xC0], $0x1;
	_ =	sdelay $0x4  }
0xf6: {  	(v2sf) =	vpush v0, $0x0;
	_ =	sdelay $0xe  }
0xf7: {  	s4 =	spop (v2sf)  }
0xf8: {  	p0 =	seq.s32 s4, $0xFFFFFFFF  }
.Ltmp9:
0xf9: {  	_ = 	snop;
	(pc) =	sbr.rel @p0 .LBB2_19-.Ltmp9, $1  }
0xfa: {  	_ =	sdelay $0x3  }
0xfb: {  	p0 =	slt.s32 s2, $0x1  }
.Ltmp10:
0xfc: {  	_ = 	snop;
	(pc) =	sbr.rel @p0 .LBB2_17-.Ltmp10, $1  }
0xfd: {  	_ =	sdelay $0x3  }
0xfe: {  	s0 =	simm.s32 $0xC0;
	p0 =	por $0x0, $0x0  }
0xff: {  	v1 =	vld.msk @!p0 [tilespmem:s0+$0x0], $0x1;
	_ =	sdelay $0x4  }
0x100: {  	(v2sf) =	vpush @!p0 v1, $0x0;
	_ =	sdelay $0xd  }
0x101: {  	p2 =	sne.s32 s2, $0x1  }
.Ltmp11:
0x102: {  	s5 =	spop @!p0 (v2sf);
	(pc) =	sbr.rel @!p2 .LBB2_16-.Ltmp11, $4  }
0x103: {  	p1 =	seq.s32 @!p0 s4, s5  }
0x104: {  	s5 =	simm.s32 $0x0;
	p1 =	por !p1, p0  }
0x105: {  	s7 =	simm.s32 $0xFFFFFFFF;
	s5 =	simm.s32 @p1 $0xFFFFFFFF  }
0x106: {  	s6 =	simm.s32 $0x1;
	s5 =	smov.u32 @p0 s7  }
.LBB2_15:
0x107: {  	s7 =	smov.u32 s5;
	p0 =	sne.s32 s5, $0xFFFFFFFF  }
0x108: {  	s0 =	sadd.s32 $0x1, s0;
	s5 =	smov.u32 s6;
	s6 =	sadd.s32 $0x1, s6  }
0x109: {  	p1 =	sne.s32 s2, s6;
	v1 =	vld.msk @!p0 [tilespmem:s0+$0x0], $0x1;
	_ =	sdelay $0x4  }
0x10a: {  	(v2sf) =	vpush @!p0 v1, $0x0;
	_ =	sdelay $0xe  }
.Ltmp12:
0x10b: {  	s8 =	spop @!p0 (v2sf);
	(pc) =	sbr.rel @p1 .LBB2_15-.Ltmp12, $4  }
0x10c: {  	p2 =	seq.s32 @!p0 s4, s8  }
0x10d: {  	p2 =	por !p2, p0  }
0x10e: {  	s5 =	simm.s32 @p2 $0xFFFFFFFF  }
0x10f: {  	s5 =	smov.u32 @p0 s7  }
.LBB2_16:
0x110: {  	p0 =	sne.s32 s5, $0xFFFFFFFF  }
.Ltmp13:
0x111: {  	_ = 	snop;
	(pc) =	sbr.rel @!p0 .LBB2_17-.Ltmp13, $1  }
0x112: {  	_ =	sdelay $0x3  }
0x113: {  	v0 =	vld.msk [tilespmem:s3+$0xE0], $0x1  }
0x114: {  	v1 =	vld.msk [tilespmem:s5+$0xE0], $0x1;
	_ =	sdelay $0x1  }
.Ltmp14:
0x115: {  	_ = 	snop;
	(pc) =	sbr.rel .LBB2_19-.Ltmp14, $3  }
0x116: {  	_ =	sdelay $0x1  }
0x117: {  	v0 =	vmax.f32 v1, v0  }
0x118: {  	[tilespmem:s5+$0xE0] =	vst.msk $0x1, v0  }
.LBB2_20:
0x119: {  	p0 =	slt.s32 s2, $0x1  }
.Ltmp15:
0x11a: {  	_ = 	snop;
	(pc) =	sbr.rel @p0 .LBB2_24-.Ltmp15, $3  }
0x11b: {  	_ =	sdelay $0x1  }
0x11c: {  	s0 =	simm.s32 $0x6  }
0x11d: {  	s3 =	simm.s32 $0x0;
	[sflag:s0] =	ssyncpa.u1 $0x1  }
0x11e: {  	s0 =	simm.s32 $0xC0  }
0x11f: {  	v0 =	vld.msk [tilespmem:s0+$0x0], $0x1;
	_ =	sdelay $0x4  }
0x120: {  	(v2sf) =	vpush v0, $0x0;
	_ =	sdelay $0xe  }
0x121: {  	s2 =	sadd.s32 $0xFFFFFFFF, s2;
	s4 =	spop (v2sf)  }
0x122: {  	p1 =	sne.s32 s2, $0x0;
	p0 =	sgt.u32 s4, $0x27FF  }
.Ltmp16:
0x123: {  	s5 =	sshrl.u32 @!p0 s4, $0x3;
	(pc) =	sbr.rel @!p1 .LBB2_23-.Ltmp16, $4  }
0x124: {  	s0 =	simm.s32 $0xE0;
	s4 =	sand.u32 @!p0 $0x7, s4;
	s5 =	sadd.s32 @!p0 s1, s5  }
0x125: {  	[hbm4b:s5+s4] =	stream.linear.scatter @!p0 [tilespmem:s0], [sflag:$0x5], $0x1, $0x38;
	[tilespmem:$0x11A60] =	vst v63  }
0x126: {  	s5 =	simm.s32 $0x0  }
0x127: {  	s4 =	simm.s32 $0xC1;
	s5 =	simm.s32 @!p0 $0x4  }
.LBB2_22:
0x128: {  	v0 =	vld.msk [tilespmem:s4+$0x0], $0x1;
	s2 =	sadd.s32 $0xFFFFFFFF, s2;
	s3 =	sadd.s32 s3, s5  }
0x129: {  	p0 =	sne.s32 s2, $0x0;
	_ =	sdelay $0x3  }
0x12a: {  	(v2sf) =	vpush v0, $0x0;
	_ =	sdelay $0xe  }
.Ltmp17:
0x12b: {  	s6 =	spop (v2sf);
	(pc) =	sbr.rel @p0 .LBB2_22-.Ltmp17, $4  }
0x12c: {  	s5 =	simm.s32 $0x0;
	p1 =	sgt.u32 s6, $0x27FF  }
0x12d: {  	s0 =	sadd.s32 $0x1, s0;
	s5 =	simm.s32 @!p1 $0x4;
	s7 =	sshrl.u32 @!p1 s6, $0x3  }
0x12e: {  	s4 =	sadd.s32 $0x1, s4;
	s6 =	sand.u32 @!p1 $0x7, s6;
	s7 =	sadd.s32 @!p1 s1, s7  }
0x12f: {  	[hbm4b:s7+s6] =	stream.linear.scatter @!p1 [tilespmem:s0], [sflag:$0x5], $0x1, $0x38;
	[tilespmem:$0x11A60] =	vst v63  }
.LBB2_23:
0x130: {  	s0 =	sadd.s32 s3, s5  }
0x131: {  	s3 =	sshrl.u32 s0, $0x2  }
.LBB2_24:
0x132: {  	s0 =	simm.s32 $0x5  }
0x133: {  	_ =	swait.ge [sflag:s0], s3  }
0x134: {  	s1 =	ssub.s32 $0x0, s3;
	[sflag:s0] =	ssyncset.done $0x0  }
0x135: {  	[sflag:s0] =	ssyncadd.s32 s1  }
0x136: {  	[sflag:s0] =	ssyncpa.u1 $0x1  }
0x137: {  	s29 =	simm.s32 $0x1;
	_ =	sfence  }
0x138: {  	s30 =	simm.s32 $0x2;
	[sflag:s29] =	ssyncpa.u1 $0x1  }
0x139: {  	[sflag:s30] =	ssyncpa.u1 $0x1  }
0x13a: {  	_ =	strace $0x90000047  }
0x13b: {  	[bflag:$0x2] =	sbarrier.arrive $0xFFFF  }
0x13c: {  	s31 =	rddreg [dreg:$0x1]  }
0x13d: {  	s0 =	sadd.s32 $0x100000, s31  }
0x13e: {  	[sflag:s0] =	ssyncadd.tile.s32 $0x1;
	_ =	shalt  }
.Lfunc_end2:
_tile_overlayer_lowered:
.L_overlay_start_2:
0x13f: {  	(tag) =	ssettag $0x2  }
0x140: {  	s0 =	rddreg [dreg:$0x0];
	s2 =	stileid.u32  }
0x141: {  	s1 =	rddreg [dreg:$0x1];
	p0 =	sne.s32 s2, $0x0  }
0x142: {  	s3 =	rddreg [dreg:$0x2];
	[bflag:$0x3] =	sbarrier.arrive $0xFFFF;
	s2 =	simm.s32 @!p0 $0x1C01  }
0x143: {  	[timem:s3], [sflag:s2] =	dma.local @!p0 [hbm:s0], s1  }
0x144: {  	s0 =	simm.s32 @!p0 $0x1  }
0x145: {  	_ =	swait.ge @!p0 [sflag:s0], s1  }
0x146: {  	s1 =	ssub.s32 @!p0 $0x0, s1;
	[sflag:s0] =	ssyncset.done @!p0 $0x0  }
0x147: {  	[sflag:s0] =	ssyncadd.s32 @!p0 s1  }
0x148: {  	[bflag:$0x3] =	sbarrier.arrive $0xFFFF  }
0x149: {  	_ =	shalt  }

</sc_bundles>
